<compile_context>
chip_gen: v7x
topology: tpu7x:2x2x1
jax: 0.10.2.dev20260603
libtpu: 0.0.44.dev20260713+nightly
codegen_flags: <defaults>
</compile_context>

<pallas_src>
import functools

import jax
import jax.numpy as jnp
from jax import lax
from jax.experimental import pallas as pl
from jax.experimental.pallas import tpu as pltpu
from jax.experimental.pallas import tpu_sc as plsc

_B = 16384
_D = 128
_NC = 2
_NS = 16
_L = 16
_NW = _NC * _NS
_RPW = _B // _NW
_CHUNK = 128
_NCHUNK = _RPW // _CHUNK
_GROUPS = _CHUNK // _L

_LOG1P_C = (
    2.4139036e-09, 0.99999967, -0.49998876, 0.33316692, -0.24865821,
    0.19337637, -0.14517646, 0.094703796, -0.047133465, 0.015145372,
    -0.0022880604,
)


def _log1p_unit(e):
    acc = jnp.full((_L,), _LOG1P_C[-1], jnp.float32)
    for c in _LOG1P_C[-2::-1]:
        acc = acc * e + jnp.float32(c)
    return acc


@functools.partial(
    pl.kernel,
    out_type=jax.ShapeDtypeStruct((_NC, _L), jnp.float32),
    mesh=plsc.VectorSubcoreMesh(core_axis_name="c", subcore_axis_name="s"),
    scratch_types=[
        pltpu.VMEM((_NCHUNK, _CHUNK), jnp.int32),
        pltpu.VMEM((_NCHUNK, _CHUNK), jnp.int32),
        pltpu.VMEM((_CHUNK, _D), jnp.float32),
        pltpu.VMEM((_CHUNK, _D), jnp.float32),
        pltpu.VMEM((_RPW // _L, _L), jnp.float32),
        pltpu.VMEM((_L, _L), jnp.float32),
        pltpu.VMEM((_L,), jnp.float32),
        pltpu.VMEM((_L,), jnp.float32),
        pltpu.VMEM_SHARED((_NS, _L), jnp.float32),
        pltpu.SemaphoreType.DMA,
        pltpu.SemaphoreType.DMA,
    ],
    compiler_params=pltpu.CompilerParams(needs_layout_passes=False),
)
def _line_loss(ui_hbm, uj_hbm, lbl_hbm, emb_hbm, ctx_hbm, out_hbm,
               idx_i, idx_j, rows_i, rows_j, lbl_v, tsc, acc_v, out_v,
               shared, sem_i, sem_j):
    c = lax.axis_index("c")
    s = lax.axis_index("s")
    wid = c * _NS + s

    pltpu.sync_copy(ui_hbm.at[pl.ds(wid * _NCHUNK, _NCHUNK)], idx_i)
    pltpu.sync_copy(uj_hbm.at[pl.ds(wid * _NCHUNK, _NCHUNK)], idx_j)
    pltpu.sync_copy(lbl_hbm.at[wid], lbl_v)
    acc_v[...] = jnp.zeros((_L,), jnp.float32)
    lanes = lax.iota(jnp.int32, _L)

    def chunk_body(k, carry):
        cp_i = pltpu.async_copy(emb_hbm.at[idx_i.at[k]], rows_i, sem_i)
        cp_j = pltpu.async_copy(ctx_hbm.at[idx_j.at[k]], rows_j, sem_j)
        cp_i.wait()
        cp_j.wait()

        def group_body(g, inner):
            for r in range(_L):
                row = g * _L + r
                p = rows_i[row, pl.ds(0, _L)] * rows_j[row, pl.ds(0, _L)]
                for q in range(1, _D // _L):
                    p = p + (rows_i[row, pl.ds(q * _L, _L)]
                             * rows_j[row, pl.ds(q * _L, _L)])
                tsc[r, :] = p
            dots = plsc.load_gather(tsc, [lanes, jnp.zeros((_L,), jnp.int32)])
            for m in range(1, _L):
                dots = dots + plsc.load_gather(
                    tsc, [lanes, jnp.full((_L,), m, jnp.int32)])
            t = dots * lbl_v[k * _GROUPS + g]
            e = jnp.exp(-jnp.abs(t))
            ls = jnp.minimum(t, jnp.float32(0.0)) - _log1p_unit(e)
            acc_v[...] = acc_v[...] + ls
            return inner

        return lax.fori_loop(0, _GROUPS, group_body, carry)

    lax.fori_loop(0, _NCHUNK, chunk_body, 0)

    pltpu.sync_copy(acc_v, shared.at[s])
    plsc.subcore_barrier()

    @pl.when(s == 0)
    def _():
        pltpu.sync_copy(shared, tsc)
        tot = tsc[0, :]
        for i in range(1, _NS):
            tot = tot + tsc[i, :]
        val = jnp.sum(tot) * jnp.float32(-1.0 / _B)
        out_v[...] = jnp.full((_L,), val, jnp.float32)
        pltpu.sync_copy(out_v, out_hbm.at[c])


def kernel(u_i, u_j, label, embeddings, context_embedding):
    ui = u_i.astype(jnp.int32).reshape(_NW * _NCHUNK, _CHUNK)
    uj = u_j.astype(jnp.int32).reshape(_NW * _NCHUNK, _CHUNK)
    lbl = label.astype(jnp.float32).reshape(_NW, _RPW // _L, _L)
    out = _line_loss(ui, uj, lbl, embeddings, context_embedding)
    return out[0, 0] + out[1, 0]

# --- scband reference (transcript-rebuilt; emitter-appended) ---
"""Pipeline reference for scband-line-11793980195230 (READ-ONLY COPY).

The authoritative reference and input builder live on the scoring server;
editing this copy changes nothing except your own understanding.
"""

import jax, jax.numpy as jnp
import numpy as np

NODE_SIZE = 100000
EMB_SIZE = 128
BATCH = 16384

def setup_inputs(seed: int = 0) -> dict:
    key = jax.random.key(seed)
    k1, k2, k3, k4 = jax.random.split(key, 4)
    u_i = jax.random.randint(k1, (BATCH,), 0, NODE_SIZE, dtype=jnp.int64) if jax.config.jax_enable_x64 else jax.random.randint(k1, (BATCH,), 0, NODE_SIZE).astype(jnp.int32)
    u_j = jax.random.randint(k2, (BATCH,), 0, NODE_SIZE).astype(u_i.dtype)
    label = jnp.ones((BATCH,), dtype=jnp.float32)
    embeddings = jax.random.normal(k3, (NODE_SIZE, EMB_SIZE), dtype=jnp.float32) * 0.01
    context_embedding = jax.random.normal(k4, (NODE_SIZE, EMB_SIZE), dtype=jnp.float32) * 0.01
    return {"u_i": u_i, "u_j": u_j, "label": label, "embeddings": embeddings, "context_embedding": context_embedding}

def reference(u_i, u_j, label, embeddings, context_embedding):
    # order == 2: target embedding for u_i, context embedding for u_j
    emb_u_i = jnp.take(embeddings, u_i, axis=0)
    emb_u_j = jnp.take(context_embedding, u_j, axis=0)
    inner_product = jnp.sum(emb_u_i * emb_u_j, axis=1)
    loss = -jnp.mean(jax.nn.log_sigmoid(label * inner_product))
    return loss

if __name__ == "__main__":
    import jax
    _d = setup_inputs()
    print(jax.jit(kernel)(*tuple(_d.values())))

</pallas_src>

<mosaic_0001>
#map = affine_map<(d0, d1) -> (0, 0)>
#map1 = affine_map<(d0, d1) -> (0, 0, 0)>
module attributes {stable_mosaic.version = 14 : i64} {
  func.func @_line_loss(%arg0: i32, %arg1: i32, %arg2: memref<128x128xi32, #tpu.memory_space<hbm>>, %arg3: memref<128x128xi32, #tpu.memory_space<hbm>>, %arg4: memref<32x32x16xf32, #tpu.memory_space<hbm>>, %arg5: memref<100000x128xf32, #tpu.memory_space<hbm>>, %arg6: memref<100000x128xf32, #tpu.memory_space<hbm>>, %arg7: memref<2x16xf32, #tpu.memory_space<hbm>>, %arg8: memref<4x128xi32, #tpu.memory_space<vmem>>, %arg9: memref<4x128xi32, #tpu.memory_space<vmem>>, %arg10: memref<128x128xf32, #tpu.memory_space<vmem>>, %arg11: memref<128x128xf32, #tpu.memory_space<vmem>>, %arg12: memref<32x16xf32, #tpu.memory_space<vmem>>, %arg13: memref<16x16xf32, #tpu.memory_space<vmem>>, %arg14: memref<16xf32, #tpu.memory_space<vmem>>, %arg15: memref<16xf32, #tpu.memory_space<vmem>>, %arg16: memref<16x16xf32, #tpu.memory_space<vmem_shared>>, %arg17: memref<!tpu.dma_semaphore, #tpu.memory_space<semaphore_mem>>, %arg18: memref<!tpu.dma_semaphore, #tpu.memory_space<semaphore_mem>>) attributes {dimension_semantics = [#tpu.dimension_semantics<core_parallel>, #tpu.dimension_semantics<subcore_parallel>], iteration_bounds = array<i64: 2, 16>, scalar_prefetch = 0 : i64, scratch_operands = 11 : i64, tpu.core_type = #tpu.core_type<sc_vector_subcore>, window_params = [{transform_indices = #map}, {transform_indices = #map}, {transform_indices = #map1}, {transform_indices = #map}, {transform_indices = #map}, {transform_indices = #map}]} {
    %mul3A = arith.constant 16 : i32
    %mul3A_0 = arith.muli %arg0, %mul3A : i32
    %add3A = arith.addi %mul3A_0, %arg1 : i32
    %mul3A_1 = arith.constant 4 : i32
    %mul3A_2 = arith.muli %add3A, %mul3A_1 : i32
    "tpu.region"() ({
      %run_scoped3A = tpu.sem_alloc : memref<!tpu.dma_semaphore, #tpu.memory_space<semaphore_mem>>
      %dma_start3A = arith.constant 0 : i32
      %dma_start3A_14 = tpu.memref_slice %arg2[%mul3A_2, %dma_start3A] : memref<128x128xi32, #tpu.memory_space<hbm>> -> memref<4x128xi32, #tpu.memory_space<hbm>>
      %dma_start3A_15 = arith.constant 0 : i32
      %dma_start3A_16 = tpu.memref_slice %arg2[%mul3A_2, %dma_start3A_15] : memref<128x128xi32, #tpu.memory_space<hbm>> -> memref<4x128xi32, #tpu.memory_space<hbm>>
      tpu.enqueue_dma source(%dma_start3A_16 : memref<4x128xi32, #tpu.memory_space<hbm>>) target(%arg8 : memref<4x128xi32, #tpu.memory_space<vmem>>) target_semaphore(%run_scoped3A : memref<!tpu.dma_semaphore, #tpu.memory_space<semaphore_mem>>)
      %dma_wait3A = arith.constant 0 : i32
      %dma_wait3A_17 = tpu.memref_slice %arg2[%mul3A_2, %dma_wait3A] : memref<128x128xi32, #tpu.memory_space<hbm>> -> memref<4x128xi32, #tpu.memory_space<hbm>>
      %dma_wait3A_18 = arith.constant 0 : i32
      %dma_wait3A_19 = tpu.memref_slice %arg2[%mul3A_2, %dma_wait3A_18] : memref<128x128xi32, #tpu.memory_space<hbm>> -> memref<4x128xi32, #tpu.memory_space<hbm>>
      tpu.wait_dma2 semaphore(%run_scoped3A : memref<!tpu.dma_semaphore, #tpu.memory_space<semaphore_mem>>) src(%dma_wait3A_19 : memref<4x128xi32, #tpu.memory_space<hbm>>) dst(%arg8 : memref<4x128xi32, #tpu.memory_space<vmem>>)
      tpu.yield
    }) : () -> ()
    %mul3A_3 = arith.constant 4 : i32
    %mul3A_4 = arith.muli %add3A, %mul3A_3 : i32
    "tpu.region"() ({
      %run_scoped3A = tpu.sem_alloc : memref<!tpu.dma_semaphore, #tpu.memory_space<semaphore_mem>>
      %dma_start3A = arith.constant 0 : i32
      %dma_start3A_14 = tpu.memref_slice %arg3[%mul3A_4, %dma_start3A] : memref<128x128xi32, #tpu.memory_space<hbm>> -> memref<4x128xi32, #tpu.memory_space<hbm>>
      %dma_start3A_15 = arith.constant 0 : i32
      %dma_start3A_16 = tpu.memref_slice %arg3[%mul3A_4, %dma_start3A_15] : memref<128x128xi32, #tpu.memory_space<hbm>> -> memref<4x128xi32, #tpu.memory_space<hbm>>
      tpu.enqueue_dma source(%dma_start3A_16 : memref<4x128xi32, #tpu.memory_space<hbm>>) target(%arg9 : memref<4x128xi32, #tpu.memory_space<vmem>>) target_semaphore(%run_scoped3A : memref<!tpu.dma_semaphore, #tpu.memory_space<semaphore_mem>>)
      %dma_wait3A = arith.constant 0 : i32
      %dma_wait3A_17 = tpu.memref_slice %arg3[%mul3A_4, %dma_wait3A] : memref<128x128xi32, #tpu.memory_space<hbm>> -> memref<4x128xi32, #tpu.memory_space<hbm>>
      %dma_wait3A_18 = arith.constant 0 : i32
      %dma_wait3A_19 = tpu.memref_slice %arg3[%mul3A_4, %dma_wait3A_18] : memref<128x128xi32, #tpu.memory_space<hbm>> -> memref<4x128xi32, #tpu.memory_space<hbm>>
      tpu.wait_dma2 semaphore(%run_scoped3A : memref<!tpu.dma_semaphore, #tpu.memory_space<semaphore_mem>>) src(%dma_wait3A_19 : memref<4x128xi32, #tpu.memory_space<hbm>>) dst(%arg9 : memref<4x128xi32, #tpu.memory_space<vmem>>)
      tpu.yield
    }) : () -> ()
    "tpu.region"() ({
      %run_scoped3A = tpu.sem_alloc : memref<!tpu.dma_semaphore, #tpu.memory_space<semaphore_mem>>
      %dma_start3A = arith.constant 0 : i32
      %dma_start3A_14 = arith.constant 0 : i32
      %dma_start3A_15 = tpu.memref_slice %arg4[%add3A, %dma_start3A, %dma_start3A_14] : memref<32x32x16xf32, #tpu.memory_space<hbm>> -> memref<1x32x16xf32, #tpu.memory_space<hbm>>
      %dma_start3A_16 = tpu.memref_squeeze %dma_start3A_15 : memref<1x32x16xf32, #tpu.memory_space<hbm>> -> memref<32x16xf32, #tpu.memory_space<hbm>>
      %dma_start3A_17 = arith.constant 0 : i32
      %dma_start3A_18 = arith.constant 0 : i32
      %dma_start3A_19 = tpu.memref_slice %arg4[%add3A, %dma_start3A_17, %dma_start3A_18] : memref<32x32x16xf32, #tpu.memory_space<hbm>> -> memref<1x32x16xf32, #tpu.memory_space<hbm>>
      %dma_start3A_20 = tpu.memref_squeeze %dma_start3A_19 : memref<1x32x16xf32, #tpu.memory_space<hbm>> -> memref<32x16xf32, #tpu.memory_space<hbm>>
      tpu.enqueue_dma source(%dma_start3A_20 : memref<32x16xf32, #tpu.memory_space<hbm>>) target(%arg12 : memref<32x16xf32, #tpu.memory_space<vmem>>) target_semaphore(%run_scoped3A : memref<!tpu.dma_semaphore, #tpu.memory_space<semaphore_mem>>)
      %dma_wait3A = arith.constant 0 : i32
      %dma_wait3A_21 = arith.constant 0 : i32
      %dma_wait3A_22 = tpu.memref_slice %arg4[%add3A, %dma_wait3A, %dma_wait3A_21] : memref<32x32x16xf32, #tpu.memory_space<hbm>> -> memref<1x32x16xf32, #tpu.memory_space<hbm>>
      %dma_wait3A_23 = tpu.memref_squeeze %dma_wait3A_22 : memref<1x32x16xf32, #tpu.memory_space<hbm>> -> memref<32x16xf32, #tpu.memory_space<hbm>>
      %dma_wait3A_24 = arith.constant 0 : i32
      %dma_wait3A_25 = arith.constant 0 : i32
      %dma_wait3A_26 = tpu.memref_slice %arg4[%add3A, %dma_wait3A_24, %dma_wait3A_25] : memref<32x32x16xf32, #tpu.memory_space<hbm>> -> memref<1x32x16xf32, #tpu.memory_space<hbm>>
      %dma_wait3A_27 = tpu.memref_squeeze %dma_wait3A_26 : memref<1x32x16xf32, #tpu.memory_space<hbm>> -> memref<32x16xf32, #tpu.memory_space<hbm>>
      tpu.wait_dma2 semaphore(%run_scoped3A : memref<!tpu.dma_semaphore, #tpu.memory_space<semaphore_mem>>) src(%dma_wait3A_27 : memref<32x16xf32, #tpu.memory_space<hbm>>) dst(%arg12 : memref<32x16xf32, #tpu.memory_space<vmem>>)
      tpu.yield
    }) : () -> ()
    %broadcast_in_dim3A = arith.constant 0.000000e+00 : f32
    %broadcast_in_dim3A_5 = vector.broadcast %broadcast_in_dim3A : f32 to vector<16xf32>
    %swap3A = arith.constant 0 : index
    %swap3A_6 = tpu.vector_load %arg14[%swap3A] {strides = array<i32>} : memref<16xf32, #tpu.memory_space<vmem>>, vector<16xf32>,
    tpu.vector_store %arg14[%swap3A], %broadcast_in_dim3A_5 {strides = array<i32>} : memref<16xf32, #tpu.memory_space<vmem>>, vector<16xf32>,
    %iota3A = tpu.iota {dimensions = array<i32: 0>} : vector<16xi32>
    %scan3A = arith.constant 0 : i32
    %scan3A_7 = arith.constant 0 : i32
    %scan3A_8 = arith.constant 4 : i32
    %scan3A_9 = arith.addi %scan3A_7, %scan3A_8 : i32
    %scan3A_10 = arith.constant 1 : i32
    scf.for %scan3A_14 = %scan3A_7 to %scan3A_9 step %scan3A_10  : i32 {
      %dma_start3A = arith.constant 0 : i32
      %dma_start3A_15 = tpu.memref_slice %arg8[%scan3A_14, %dma_start3A] : memref<4x128xi32, #tpu.memory_space<vmem>> -> memref<1x128xi32, #tpu.memory_space<vmem>>
      %dma_start3A_16 = tpu.memref_squeeze %dma_start3A_15 : memref<1x128xi32, #tpu.memory_space<vmem>> -> memref<128xi32, #tpu.memory_space<vmem>>
      %dma_start3A_17 = arith.constant 0 : i32
      %dma_start3A_18 = arith.constant 0 : i32
      %dma_start3A_19 = tpu.memref_slice %arg5[%dma_start3A_17, %dma_start3A_18] : memref<100000x128xf32, #tpu.memory_space<hbm>> -> memref<100000x128xf32, #tpu.memory_space<hbm>>
      tpu.enqueue_indirect_dma source(%dma_start3A_19 : memref<100000x128xf32, #tpu.memory_space<hbm>>) target(%arg10 : memref<128x128xf32, #tpu.memory_space<vmem>>) offsets(%dma_start3A_16 : memref<128xi32, #tpu.memory_space<vmem>>) semaphore(%arg17 : memref<!tpu.dma_semaphore, #tpu.memory_space<semaphore_mem>>)
      %dma_start3A_20 = arith.constant 0 : i32
      %dma_start3A_21 = tpu.memref_slice %arg9[%scan3A_14, %dma_start3A_20] : memref<4x128xi32, #tpu.memory_space<vmem>> -> memref<1x128xi32, #tpu.memory_space<vmem>>
      %dma_start3A_22 = tpu.memref_squeeze %dma_start3A_21 : memref<1x128xi32, #tpu.memory_space<vmem>> -> memref<128xi32, #tpu.memory_space<vmem>>
      %dma_start3A_23 = arith.constant 0 : i32
      %dma_start3A_24 = arith.constant 0 : i32
      %dma_start3A_25 = tpu.memref_slice %arg6[%dma_start3A_23, %dma_start3A_24] : memref<100000x128xf32, #tpu.memory_space<hbm>> -> memref<100000x128xf32, #tpu.memory_space<hbm>>
      tpu.enqueue_indirect_dma source(%dma_start3A_25 : memref<100000x128xf32, #tpu.memory_space<hbm>>) target(%arg11 : memref<128x128xf32, #tpu.memory_space<vmem>>) offsets(%dma_start3A_22 : memref<128xi32, #tpu.memory_space<vmem>>) semaphore(%arg18 : memref<!tpu.dma_semaphore, #tpu.memory_space<semaphore_mem>>)
      %dma_wait3A = arith.constant 0 : i32
      %dma_wait3A_26 = tpu.memref_slice %arg8[%scan3A_14, %dma_wait3A] : memref<4x128xi32, #tpu.memory_space<vmem>> -> memref<1x128xi32, #tpu.memory_space<vmem>>
      %dma_wait3A_27 = tpu.memref_squeeze %dma_wait3A_26 : memref<1x128xi32, #tpu.memory_space<vmem>> -> memref<128xi32, #tpu.memory_space<vmem>>
      %dma_wait3A_28 = arith.constant 0 : i32
      %dma_wait3A_29 = arith.constant 0 : i32
      %dma_wait3A_30 = tpu.memref_slice %arg5[%dma_wait3A_28, %dma_wait3A_29] : memref<100000x128xf32, #tpu.memory_space<hbm>> -> memref<100000x128xf32, #tpu.memory_space<hbm>>
      tpu.wait_indirect_dma semaphore(%arg17 : memref<!tpu.dma_semaphore, #tpu.memory_space<semaphore_mem>>) src(%dma_wait3A_30 : memref<100000x128xf32, #tpu.memory_space<hbm>>) dst(%arg10 : memref<128x128xf32, #tpu.memory_space<vmem>>)
      %dma_wait3A_31 = arith.constant 0 : i32
      %dma_wait3A_32 = tpu.memref_slice %arg9[%scan3A_14, %dma_wait3A_31] : memref<4x128xi32, #tpu.memory_space<vmem>> -> memref<1x128xi32, #tpu.memory_space<vmem>>
      %dma_wait3A_33 = tpu.memref_squeeze %dma_wait3A_32 : memref<1x128xi32, #tpu.memory_space<vmem>> -> memref<128xi32, #tpu.memory_space<vmem>>
      %dma_wait3A_34 = arith.constant 0 : i32
      %dma_wait3A_35 = arith.constant 0 : i32
      %dma_wait3A_36 = tpu.memref_slice %arg6[%dma_wait3A_34, %dma_wait3A_35] : memref<100000x128xf32, #tpu.memory_space<hbm>> -> memref<100000x128xf32, #tpu.memory_space<hbm>>
      tpu.wait_indirect_dma semaphore(%arg18 : memref<!tpu.dma_semaphore, #tpu.memory_space<semaphore_mem>>) src(%dma_wait3A_36 : memref<100000x128xf32, #tpu.memory_space<hbm>>) dst(%arg11 : memref<128x128xf32, #tpu.memory_space<vmem>>)
      %scan3A_37 = arith.constant 0 : i32
      %scan3A_38 = arith.constant 8 : i32
      %scan3A_39 = arith.addi %scan3A_37, %scan3A_38 : i32
      %scan3A_40 = arith.constant 1 : i32
      scf.for %scan3A_42 = %scan3A_37 to %scan3A_39 step %scan3A_40  : i32 {
        %mul3A_43 = arith.constant 16 : i32
        %mul3A_44 = arith.muli %scan3A_42, %mul3A_43 : i32
        %add3A_45 = arith.constant 0 : i32
        %add3A_46 = arith.addi %mul3A_44, %add3A_45 : i32
        %get3A = arith.index_cast %add3A_46 : i32 to index
        %get3A_47 = arith.constant 0 : index
        %get3A_48 = tpu.vector_load %arg10[%get3A, %get3A_47] {strides = array<i32>} : memref<128x128xf32, #tpu.memory_space<vmem>>, vector<16xf32>,
        %get3A_49 = arith.index_cast %add3A_46 : i32 to index
        %get3A_50 = arith.constant 0 : index
        %get3A_51 = tpu.vector_load %arg11[%get3A_49, %get3A_50] {strides = array<i32>} : memref<128x128xf32, #tpu.memory_space<vmem>>, vector<16xf32>,
        %mul3A_52 = arith.mulf %get3A_48, %get3A_51 : vector<16xf32>
        %get3A_53 = arith.index_cast %add3A_46 : i32 to index
        %get3A_54 = arith.constant 16 : index
        %get3A_55 = tpu.vector_load %arg10[%get3A_53, %get3A_54] {strides = array<i32>} : memref<128x128xf32, #tpu.memory_space<vmem>>, vector<16xf32>,
        %get3A_56 = arith.index_cast %add3A_46 : i32 to index
        %get3A_57 = arith.constant 16 : index
        %get3A_58 = tpu.vector_load %arg11[%get3A_56, %get3A_57] {strides = array<i32>} : memref<128x128xf32, #tpu.memory_space<vmem>>, vector<16xf32>,
        %mul3A_59 = arith.mulf %get3A_55, %get3A_58 : vector<16xf32>
        %add3A_60 = arith.addf %mul3A_52, %mul3A_59 : vector<16xf32>
        %get3A_61 = arith.index_cast %add3A_46 : i32 to index
        %get3A_62 = arith.constant 32 : index
        %get3A_63 = tpu.vector_load %arg10[%get3A_61, %get3A_62] {strides = array<i32>} : memref<128x128xf32, #tpu.memory_space<vmem>>, vector<16xf32>,
        %get3A_64 = arith.index_cast %add3A_46 : i32 to index
        %get3A_65 = arith.constant 32 : index
        %get3A_66 = tpu.vector_load %arg11[%get3A_64, %get3A_65] {strides = array<i32>} : memref<128x128xf32, #tpu.memory_space<vmem>>, vector<16xf32>,
        %mul3A_67 = arith.mulf %get3A_63, %get3A_66 : vector<16xf32>
        %add3A_68 = arith.addf %add3A_60, %mul3A_67 : vector<16xf32>
        %get3A_69 = arith.index_cast %add3A_46 : i32 to index
        %get3A_70 = arith.constant 48 : index
        %get3A_71 = tpu.vector_load %arg10[%get3A_69, %get3A_70] {strides = array<i32>} : memref<128x128xf32, #tpu.memory_space<vmem>>, vector<16xf32>,
        %get3A_72 = arith.index_cast %add3A_46 : i32 to index
        %get3A_73 = arith.constant 48 : index
        %get3A_74 = tpu.vector_load %arg11[%get3A_72, %get3A_73] {strides = array<i32>} : memref<128x128xf32, #tpu.memory_space<vmem>>, vector<16xf32>,
        %mul3A_75 = arith.mulf %get3A_71, %get3A_74 : vector<16xf32>
        %add3A_76 = arith.addf %add3A_68, %mul3A_75 : vector<16xf32>
        %get3A_77 = arith.index_cast %add3A_46 : i32 to index
        %get3A_78 = arith.constant 64 : index
        %get3A_79 = tpu.vector_load %arg10[%get3A_77, %get3A_78] {strides = array<i32>} : memref<128x128xf32, #tpu.memory_space<vmem>>, vector<16xf32>,
        %get3A_80 = arith.index_cast %add3A_46 : i32 to index
        %get3A_81 = arith.constant 64 : index
        %get3A_82 = tpu.vector_load %arg11[%get3A_80, %get3A_81] {strides = array<i32>} : memref<128x128xf32, #tpu.memory_space<vmem>>, vector<16xf32>,
        %mul3A_83 = arith.mulf %get3A_79, %get3A_82 : vector<16xf32>
        %add3A_84 = arith.addf %add3A_76, %mul3A_83 : vector<16xf32>
        %get3A_85 = arith.index_cast %add3A_46 : i32 to index
        %get3A_86 = arith.constant 80 : index
        %get3A_87 = tpu.vector_load %arg10[%get3A_85, %get3A_86] {strides = array<i32>} : memref<128x128xf32, #tpu.memory_space<vmem>>, vector<16xf32>,
        %get3A_88 = arith.index_cast %add3A_46 : i32 to index
        %get3A_89 = arith.constant 80 : index
        %get3A_90 = tpu.vector_load %arg11[%get3A_88, %get3A_89] {strides = array<i32>} : memref<128x128xf32, #tpu.memory_space<vmem>>, vector<16xf32>,
        %mul3A_91 = arith.mulf %get3A_87, %get3A_90 : vector<16xf32>
        %add3A_92 = arith.addf %add3A_84, %mul3A_91 : vector<16xf32>
        %get3A_93 = arith.index_cast %add3A_46 : i32 to index
        %get3A_94 = arith.constant 96 : index
        %get3A_95 = tpu.vector_load %arg10[%get3A_93, %get3A_94] {strides = array<i32>} : memref<128x128xf32, #tpu.memory_space<vmem>>, vector<16xf32>,
        %get3A_96 = arith.index_cast %add3A_46 : i32 to index
        %get3A_97 = arith.constant 96 : index
        %get3A_98 = tpu.vector_load %arg11[%get3A_96, %get3A_97] {strides = array<i32>} : memref<128x128xf32, #tpu.memory_space<vmem>>, vector<16xf32>,
        %mul3A_99 = arith.mulf %get3A_95, %get3A_98 : vector<16xf32>
        %add3A_100 = arith.addf %add3A_92, %mul3A_99 : vector<16xf32>
        %get3A_101 = arith.index_cast %add3A_46 : i32 to index
        %get3A_102 = arith.constant 112 : index
        %get3A_103 = tpu.vector_load %arg10[%get3A_101, %get3A_102] {strides = array<i32>} : memref<128x128xf32, #tpu.memory_space<vmem>>, vector<16xf32>,
        %get3A_104 = arith.index_cast %add3A_46 : i32 to index
        %get3A_105 = arith.constant 112 : index
        %get3A_106 = tpu.vector_load %arg11[%get3A_104, %get3A_105] {strides = array<i32>} : memref<128x128xf32, #tpu.memory_space<vmem>>, vector<16xf32>,
        %mul3A_107 = arith.mulf %get3A_103, %get3A_106 : vector<16xf32>
        %add3A_108 = arith.addf %add3A_100, %mul3A_107 : vector<16xf32>
        %swap3A_109 = arith.constant 0 : i32
        %swap3A_110 = arith.index_cast %swap3A_109 : i32 to index
        %swap3A_111 = arith.constant 0 : index
        %swap3A_112 = tpu.vector_load %arg13[%swap3A_110, %swap3A_111] {strides = array<i32>} : memref<16x16xf32, #tpu.memory_space<vmem>>, vector<16xf32>,
        tpu.vector_store %arg13[%swap3A_110, %swap3A_111], %add3A_108 {strides = array<i32>} : memref<16x16xf32, #tpu.memory_space<vmem>>, vector<16xf32>,
        %mul3A_113 = arith.constant 16 : i32
        %mul3A_114 = arith.muli %scan3A_42, %mul3A_113 : i32
        %add3A_115 = arith.constant 1 : i32
        %add3A_116 = arith.addi %mul3A_114, %add3A_115 : i32
        %get3A_117 = arith.index_cast %add3A_116 : i32 to index
        %get3A_118 = arith.constant 0 : index
        %get3A_119 = tpu.vector_load %arg10[%get3A_117, %get3A_118] {strides = array<i32>} : memref<128x128xf32, #tpu.memory_space<vmem>>, vector<16xf32>,
        %get3A_120 = arith.index_cast %add3A_116 : i32 to index
        %get3A_121 = arith.constant 0 : index
        %get3A_122 = tpu.vector_load %arg11[%get3A_120, %get3A_121] {strides = array<i32>} : memref<128x128xf32, #tpu.memory_space<vmem>>, vector<16xf32>,
        %mul3A_123 = arith.mulf %get3A_119, %get3A_122 : vector<16xf32>
        %get3A_124 = arith.index_cast %add3A_116 : i32 to index
        %get3A_125 = arith.constant 16 : index
        %get3A_126 = tpu.vector_load %arg10[%get3A_124, %get3A_125] {strides = array<i32>} : memref<128x128xf32, #tpu.memory_space<vmem>>, vector<16xf32>,
        %get3A_127 = arith.index_cast %add3A_116 : i32 to index
        %get3A_128 = arith.constant 16 : index
        %get3A_129 = tpu.vector_load %arg11[%get3A_127, %get3A_128] {strides = array<i32>} : memref<128x128xf32, #tpu.memory_space<vmem>>, vector<16xf32>,
        %mul3A_130 = arith.mulf %get3A_126, %get3A_129 : vector<16xf32>
        %add3A_131 = arith.addf %mul3A_123, %mul3A_130 : vector<16xf32>
        %get3A_132 = arith.index_cast %add3A_116 : i32 to index
        %get3A_133 = arith.constant 32 : index
        %get3A_134 = tpu.vector_load %arg10[%get3A_132, %get3A_133] {strides = array<i32>} : memref<128x128xf32, #tpu.memory_space<vmem>>, vector<16xf32>,
        %get3A_135 = arith.index_cast %add3A_116 : i32 to index
        %get3A_136 = arith.constant 32 : index
        %get3A_137 = tpu.vector_load %arg11[%get3A_135, %get3A_136] {strides = array<i32>} : memref<128x128xf32, #tpu.memory_space<vmem>>, vector<16xf32>,
        %mul3A_138 = arith.mulf %get3A_134, %get3A_137 : vector<16xf32>
        %add3A_139 = arith.addf %add3A_131, %mul3A_138 : vector<16xf32>
        %get3A_140 = arith.index_cast %add3A_116 : i32 to index
        %get3A_141 = arith.constant 48 : index
        %get3A_142 = tpu.vector_load %arg10[%get3A_140, %get3A_141] {strides = array<i32>} : memref<128x128xf32, #tpu.memory_space<vmem>>, vector<16xf32>,
        %get3A_143 = arith.index_cast %add3A_116 : i32 to index
        %get3A_144 = arith.constant 48 : index
        %get3A_145 = tpu.vector_load %arg11[%get3A_143, %get3A_144] {strides = array<i32>} : memref<128x128xf32, #tpu.memory_space<vmem>>, vector<16xf32>,
        %mul3A_146 = arith.mulf %get3A_142, %get3A_145 : vector<16xf32>
        %add3A_147 = arith.addf %add3A_139, %mul3A_146 : vector<16xf32>
        %get3A_148 = arith.index_cast %add3A_116 : i32 to index
        %get3A_149 = arith.constant 64 : index
        %get3A_150 = tpu.vector_load %arg10[%get3A_148, %get3A_149] {strides = array<i32>} : memref<128x128xf32, #tpu.memory_space<vmem>>, vector<16xf32>,
        %get3A_151 = arith.index_cast %add3A_116 : i32 to index
        %get3A_152 = arith.constant 64 : index
        %get3A_153 = tpu.vector_load %arg11[%get3A_151, %get3A_152] {strides = array<i32>} : memref<128x128xf32, #tpu.memory_space<vmem>>, vector<16xf32>,
        %mul3A_154 = arith.mulf %get3A_150, %get3A_153 : vector<16xf32>
        %add3A_155 = arith.addf %add3A_147, %mul3A_154 : vector<16xf32>
        %get3A_156 = arith.index_cast %add3A_116 : i32 to index
        %get3A_157 = arith.constant 80 : index
        %get3A_158 = tpu.vector_load %arg10[%get3A_156, %get3A_157] {strides = array<i32>} : memref<128x128xf32, #tpu.memory_space<vmem>>, vector<16xf32>,
        %get3A_159 = arith.index_cast %add3A_116 : i32 to index
        %get3A_160 = arith.constant 80 : index
        %get3A_161 = tpu.vector_load %arg11[%get3A_159, %get3A_160] {strides = array<i32>} : memref<128x128xf32, #tpu.memory_space<vmem>>, vector<16xf32>,
        %mul3A_162 = arith.mulf %get3A_158, %get3A_161 : vector<16xf32>
        %add3A_163 = arith.addf %add3A_155, %mul3A_162 : vector<16xf32>
        %get3A_164 = arith.index_cast %add3A_116 : i32 to index
        %get3A_165 = arith.constant 96 : index
        %get3A_166 = tpu.vector_load %arg10[%get3A_164, %get3A_165] {strides = array<i32>} : memref<128x128xf32, #tpu.memory_space<vmem>>, vector<16xf32>,
        %get3A_167 = arith.index_cast %add3A_116 : i32 to index
        %get3A_168 = arith.constant 96 : index
        %get3A_169 = tpu.vector_load %arg11[%get3A_167, %get3A_168] {strides = array<i32>} : memref<128x128xf32, #tpu.memory_space<vmem>>, vector<16xf32>,
        %mul3A_170 = arith.mulf %get3A_166, %get3A_169 : vector<16xf32>
        %add3A_171 = arith.addf %add3A_163, %mul3A_170 : vector<16xf32>
        %get3A_172 = arith.index_cast %add3A_116 : i32 to index
        %get3A_173 = arith.constant 112 : index
        %get3A_174 = tpu.vector_load %arg10[%get3A_172, %get3A_173] {strides = array<i32>} : memref<128x128xf32, #tpu.memory_space<vmem>>, vector<16xf32>,
        %get3A_175 = arith.index_cast %add3A_116 : i32 to index
        %get3A_176 = arith.constant 112 : index
        %get3A_177 = tpu.vector_load %arg11[%get3A_175, %get3A_176] {strides = array<i32>} : memref<128x128xf32, #tpu.memory_space<vmem>>, vector<16xf32>,
        %mul3A_178 = arith.mulf %get3A_174, %get3A_177 : vector<16xf32>
        %add3A_179 = arith.addf %add3A_171, %mul3A_178 : vector<16xf32>
        %swap3A_180 = arith.constant 1 : i32
        %swap3A_181 = arith.index_cast %swap3A_180 : i32 to index
        %swap3A_182 = arith.constant 0 : index
        %swap3A_183 = tpu.vector_load %arg13[%swap3A_181, %swap3A_182] {strides = array<i32>} : memref<16x16xf32, #tpu.memory_space<vmem>>, vector<16xf32>,
        tpu.vector_store %arg13[%swap3A_181, %swap3A_182], %add3A_179 {strides = array<i32>} : memref<16x16xf32, #tpu.memory_space<vmem>>, vector<16xf32>,
        %mul3A_184 = arith.constant 16 : i32
        %mul3A_185 = arith.muli %scan3A_42, %mul3A_184 : i32
        %add3A_186 = arith.constant 2 : i32
        %add3A_187 = arith.addi %mul3A_185, %add3A_186 : i32
        %get3A_188 = arith.index_cast %add3A_187 : i32 to index
        %get3A_189 = arith.constant 0 : index
        %get3A_190 = tpu.vector_load %arg10[%get3A_188, %get3A_189] {strides = array<i32>} : memref<128x128xf32, #tpu.memory_space<vmem>>, vector<16xf32>,
        %get3A_191 = arith.index_cast %add3A_187 : i32 to index
        %get3A_192 = arith.constant 0 : index
        %get3A_193 = tpu.vector_load %arg11[%get3A_191, %get3A_192] {strides = array<i32>} : memref<128x128xf32, #tpu.memory_space<vmem>>, vector<16xf32>,
        %mul3A_194 = arith.mulf %get3A_190, %get3A_193 : vector<16xf32>
        %get3A_195 = arith.index_cast %add3A_187 : i32 to index
        %get3A_196 = arith.constant 16 : index
        %get3A_197 = tpu.vector_load %arg10[%get3A_195, %get3A_196] {strides = array<i32>} : memref<128x128xf32, #tpu.memory_space<vmem>>, vector<16xf32>,
        %get3A_198 = arith.index_cast %add3A_187 : i32 to index
        %get3A_199 = arith.constant 16 : index
        %get3A_200 = tpu.vector_load %arg11[%get3A_198, %get3A_199] {strides = array<i32>} : memref<128x128xf32, #tpu.memory_space<vmem>>, vector<16xf32>,
        %mul3A_201 = arith.mulf %get3A_197, %get3A_200 : vector<16xf32>
        %add3A_202 = arith.addf %mul3A_194, %mul3A_201 : vector<16xf32>
        %get3A_203 = arith.index_cast %add3A_187 : i32 to index
        %get3A_204 = arith.constant 32 : index
        %get3A_205 = tpu.vector_load %arg10[%get3A_203, %get3A_204] {strides = array<i32>} : memref<128x128xf32, #tpu.memory_space<vmem>>, vector<16xf32>,
        %get3A_206 = arith.index_cast %add3A_187 : i32 to index
        %get3A_207 = arith.constant 32 : index
        %get3A_208 = tpu.vector_load %arg11[%get3A_206, %get3A_207] {strides = array<i32>} : memref<128x128xf32, #tpu.memory_space<vmem>>, vector<16xf32>,
        %mul3A_209 = arith.mulf %get3A_205, %get3A_208 : vector<16xf32>
        %add3A_210 = arith.addf %add3A_202, %mul3A_209 : vector<16xf32>
        %get3A_211 = arith.index_cast %add3A_187 : i32 to index
        %get3A_212 = arith.constant 48 : index
        %get3A_213 = tpu.vector_load %arg10[%get3A_211, %get3A_212] {strides = array<i32>} : memref<128x128xf32, #tpu.memory_space<vmem>>, vector<16xf32>,
        %get3A_214 = arith.index_cast %add3A_187 : i32 to index
        %get3A_215 = arith.constant 48 : index
        %get3A_216 = tpu.vector_load %arg11[%get3A_214, %get3A_215] {strides = array<i32>} : memref<128x128xf32, #tpu.memory_space<vmem>>, vector<16xf32>,
        %mul3A_217 = arith.mulf %get3A_213, %get3A_216 : vector<16xf32>
        %add3A_218 = arith.addf %add3A_210, %mul3A_217 : vector<16xf32>
        %get3A_219 = arith.index_cast %add3A_187 : i32 to index
        %get3A_220 = arith.constant 64 : index
        %get3A_221 = tpu.vector_load %arg10[%get3A_219, %get3A_220] {strides = array<i32>} : memref<128x128xf32, #tpu.memory_space<vmem>>, vector<16xf32>,
        %get3A_222 = arith.index_cast %add3A_187 : i32 to index
        %get3A_223 = arith.constant 64 : index
        %get3A_224 = tpu.vector_load %arg11[%get3A_222, %get3A_223] {strides = array<i32>} : memref<128x128xf32, #tpu.memory_space<vmem>>, vector<16xf32>,
        %mul3A_225 = arith.mulf %get3A_221, %get3A_224 : vector<16xf32>
        %add3A_226 = arith.addf %add3A_218, %mul3A_225 : vector<16xf32>
        %get3A_227 = arith.index_cast %add3A_187 : i32 to index
        %get3A_228 = arith.constant 80 : index
        %get3A_229 = tpu.vector_load %arg10[%get3A_227, %get3A_228] {strides = array<i32>} : memref<128x128xf32, #tpu.memory_space<vmem>>, vector<16xf32>,
        %get3A_230 = arith.index_cast %add3A_187 : i32 to index
        %get3A_231 = arith.constant 80 : index
        %get3A_232 = tpu.vector_load %arg11[%get3A_230, %get3A_231] {strides = array<i32>} : memref<128x128xf32, #tpu.memory_space<vmem>>, vector<16xf32>,
        %mul3A_233 = arith.mulf %get3A_229, %get3A_232 : vector<16xf32>
        %add3A_234 = arith.addf %add3A_226, %mul3A_233 : vector<16xf32>
        %get3A_235 = arith.index_cast %add3A_187 : i32 to index
        %get3A_236 = arith.constant 96 : index
        %get3A_237 = tpu.vector_load %arg10[%get3A_235, %get3A_236] {strides = array<i32>} : memref<128x128xf32, #tpu.memory_space<vmem>>, vector<16xf32>,
        %get3A_238 = arith.index_cast %add3A_187 : i32 to index
        %get3A_239 = arith.constant 96 : index
        %get3A_240 = tpu.vector_load %arg11[%get3A_238, %get3A_239] {strides = array<i32>} : memref<128x128xf32, #tpu.memory_space<vmem>>, vector<16xf32>,
        %mul3A_241 = arith.mulf %get3A_237, %get3A_240 : vector<16xf32>
        %add3A_242 = arith.addf %add3A_234, %mul3A_241 : vector<16xf32>
        %get3A_243 = arith.index_cast %add3A_187 : i32 to index
        %get3A_244 = arith.constant 112 : index
        %get3A_245 = tpu.vector_load %arg10[%get3A_243, %get3A_244] {strides = array<i32>} : memref<128x128xf32, #tpu.memory_space<vmem>>, vector<16xf32>,
        %get3A_246 = arith.index_cast %add3A_187 : i32 to index
        %get3A_247 = arith.constant 112 : index
        %get3A_248 = tpu.vector_load %arg11[%get3A_246, %get3A_247] {strides = array<i32>} : memref<128x128xf32, #tpu.memory_space<vmem>>, vector<16xf32>,
        %mul3A_249 = arith.mulf %get3A_245, %get3A_248 : vector<16xf32>
        %add3A_250 = arith.addf %add3A_242, %mul3A_249 : vector<16xf32>
        %swap3A_251 = arith.constant 2 : i32
        %swap3A_252 = arith.index_cast %swap3A_251 : i32 to index
        %swap3A_253 = arith.constant 0 : index
        %swap3A_254 = tpu.vector_load %arg13[%swap3A_252, %swap3A_253] {strides = array<i32>} : memref<16x16xf32, #tpu.memory_space<vmem>>, vector<16xf32>,
        tpu.vector_store %arg13[%swap3A_252, %swap3A_253], %add3A_250 {strides = array<i32>} : memref<16x16xf32, #tpu.memory_space<vmem>>, vector<16xf32>,
        %mul3A_255 = arith.constant 16 : i32
        %mul3A_256 = arith.muli %scan3A_42, %mul3A_255 : i32
        %add3A_257 = arith.constant 3 : i32
        %add3A_258 = arith.addi %mul3A_256, %add3A_257 : i32
        %get3A_259 = arith.index_cast %add3A_258 : i32 to index
        %get3A_260 = arith.constant 0 : index
        %get3A_261 = tpu.vector_load %arg10[%get3A_259, %get3A_260] {strides = array<i32>} : memref<128x128xf32, #tpu.memory_space<vmem>>, vector<16xf32>,
        %get3A_262 = arith.index_cast %add3A_258 : i32 to index
        %get3A_263 = arith.constant 0 : index
        %get3A_264 = tpu.vector_load %arg11[%get3A_262, %get3A_263] {strides = array<i32>} : memref<128x128xf32, #tpu.memory_space<vmem>>, vector<16xf32>,
        %mul3A_265 = arith.mulf %get3A_261, %get3A_264 : vector<16xf32>
        %get3A_266 = arith.index_cast %add3A_258 : i32 to index
        %get3A_267 = arith.constant 16 : index
        %get3A_268 = tpu.vector_load %arg10[%get3A_266, %get3A_267] {strides = array<i32>} : memref<128x128xf32, #tpu.memory_space<vmem>>, vector<16xf32>,
        %get3A_269 = arith.index_cast %add3A_258 : i32 to index
        %get3A_270 = arith.constant 16 : index
        %get3A_271 = tpu.vector_load %arg11[%get3A_269, %get3A_270] {strides = array<i32>} : memref<128x128xf32, #tpu.memory_space<vmem>>, vector<16xf32>,
        %mul3A_272 = arith.mulf %get3A_268, %get3A_271 : vector<16xf32>
        %add3A_273 = arith.addf %mul3A_265, %mul3A_272 : vector<16xf32>
        %get3A_274 = arith.index_cast %add3A_258 : i32 to index
        %get3A_275 = arith.constant 32 : index
        %get3A_276 = tpu.vector_load %arg10[%get3A_274, %get3A_275] {strides = array<i32>} : memref<128x128xf32, #tpu.memory_space<vmem>>, vector<16xf32>,
        %get3A_277 = arith.index_cast %add3A_258 : i32 to index
        %get3A_278 = arith.constant 32 : index
        %get3A_279 = tpu.vector_load %arg11[%get3A_277, %get3A_278] {strides = array<i32>} : memref<128x128xf32, #tpu.memory_space<vmem>>, vector<16xf32>,
        %mul3A_280 = arith.mulf %get3A_276, %get3A_279 : vector<16xf32>
        %add3A_281 = arith.addf %add3A_273, %mul3A_280 : vector<16xf32>
        %get3A_282 = arith.index_cast %add3A_258 : i32 to index
        %get3A_283 = arith.constant 48 : index
        %get3A_284 = tpu.vector_load %arg10[%get3A_282, %get3A_283] {strides = array<i32>} : memref<128x128xf32, #tpu.memory_space<vmem>>, vector<16xf32>,
        %get3A_285 = arith.index_cast %add3A_258 : i32 to index
        %get3A_286 = arith.constant 48 : index
        %get3A_287 = tpu.vector_load %arg11[%get3A_285, %get3A_286] {strides = array<i32>} : memref<128x128xf32, #tpu.memory_space<vmem>>, vector<16xf32>,
        %mul3A_288 = arith.mulf %get3A_284, %get3A_287 : vector<16xf32>
        %add3A_289 = arith.addf %add3A_281, %mul3A_288 : vector<16xf32>
        %get3A_290 = arith.index_cast %add3A_258 : i32 to index
        %get3A_291 = arith.constant 64 : index
        %get3A_292 = tpu.vector_load %arg10[%get3A_290, %get3A_291] {strides = array<i32>} : memref<128x128xf32, #tpu.memory_space<vmem>>, vector<16xf32>,
        %get3A_293 = arith.index_cast %add3A_258 : i32 to index
        %get3A_294 = arith.constant 64 : index
        %get3A_295 = tpu.vector_load %arg11[%get3A_293, %get3A_294] {strides = array<i32>} : memref<128x128xf32, #tpu.memory_space<vmem>>, vector<16xf32>,
        %mul3A_296 = arith.mulf %get3A_292, %get3A_295 : vector<16xf32>
        %add3A_297 = arith.addf %add3A_289, %mul3A_296 : vector<16xf32>
        %get3A_298 = arith.index_cast %add3A_258 : i32 to index
        %get3A_299 = arith.constant 80 : index
        %get3A_300 = tpu.vector_load %arg10[%get3A_298, %get3A_299] {strides = array<i32>} : memref<128x128xf32, #tpu.memory_space<vmem>>, vector<16xf32>,
        %get3A_301 = arith.index_cast %add3A_258 : i32 to index
        %get3A_302 = arith.constant 80 : index
        %get3A_303 = tpu.vector_load %arg11[%get3A_301, %get3A_302] {strides = array<i32>} : memref<128x128xf32, #tpu.memory_space<vmem>>, vector<16xf32>,
        %mul3A_304 = arith.mulf %get3A_300, %get3A_303 : vector<16xf32>
        %add3A_305 = arith.addf %add3A_297, %mul3A_304 : vector<16xf32>
        %get3A_306 = arith.index_cast %add3A_258 : i32 to index
        %get3A_307 = arith.constant 96 : index
        %get3A_308 = tpu.vector_load %arg10[%get3A_306, %get3A_307] {strides = array<i32>} : memref<128x128xf32, #tpu.memory_space<vmem>>, vector<16xf32>,
        %get3A_309 = arith.index_cast %add3A_258 : i32 to index
        %get3A_310 = arith.constant 96 : index
        %get3A_311 = tpu.vector_load %arg11[%get3A_309, %get3A_310] {strides = array<i32>} : memref<128x128xf32, #tpu.memory_space<vmem>>, vector<16xf32>,
        %mul3A_312 = arith.mulf %get3A_308, %get3A_311 : vector<16xf32>
        %add3A_313 = arith.addf %add3A_305, %mul3A_312 : vector<16xf32>
        %get3A_314 = arith.index_cast %add3A_258 : i32 to index
        %get3A_315 = arith.constant 112 : index
        %get3A_316 = tpu.vector_load %arg10[%get3A_314, %get3A_315] {strides = array<i32>} : memref<128x128xf32, #tpu.memory_space<vmem>>, vector<16xf32>,
        %get3A_317 = arith.index_cast %add3A_258 : i32 to index
        %get3A_318 = arith.constant 112 : index
        %get3A_319 = tpu.vector_load %arg11[%get3A_317, %get3A_318] {strides = array<i32>} : memref<128x128xf32, #tpu.memory_space<vmem>>, vector<16xf32>,
        %mul3A_320 = arith.mulf %get3A_316, %get3A_319 : vector<16xf32>
        %add3A_321 = arith.addf %add3A_313, %mul3A_320 : vector<16xf32>
        %swap3A_322 = arith.constant 3 : i32
        %swap3A_323 = arith.index_cast %swap3A_322 : i32 to index
        %swap3A_324 = arith.constant 0 : index
        %swap3A_325 = tpu.vector_load %arg13[%swap3A_323, %swap3A_324] {strides = array<i32>} : memref<16x16xf32, #tpu.memory_space<vmem>>, vector<16xf32>,
        tpu.vector_store %arg13[%swap3A_323, %swap3A_324], %add3A_321 {strides = array<i32>} : memref<16x16xf32, #tpu.memory_space<vmem>>, vector<16xf32>,
        %mul3A_326 = arith.constant 16 : i32
        %mul3A_327 = arith.muli %scan3A_42, %mul3A_326 : i32
        %add3A_328 = arith.constant 4 : i32
        %add3A_329 = arith.addi %mul3A_327, %add3A_328 : i32
        %get3A_330 = arith.index_cast %add3A_329 : i32 to index
        %get3A_331 = arith.constant 0 : index
        %get3A_332 = tpu.vector_load %arg10[%get3A_330, %get3A_331] {strides = array<i32>} : memref<128x128xf32, #tpu.memory_space<vmem>>, vector<16xf32>,
        %get3A_333 = arith.index_cast %add3A_329 : i32 to index
        %get3A_334 = arith.constant 0 : index
        %get3A_335 = tpu.vector_load %arg11[%get3A_333, %get3A_334] {strides = array<i32>} : memref<128x128xf32, #tpu.memory_space<vmem>>, vector<16xf32>,
        %mul3A_336 = arith.mulf %get3A_332, %get3A_335 : vector<16xf32>
        %get3A_337 = arith.index_cast %add3A_329 : i32 to index
        %get3A_338 = arith.constant 16 : index
        %get3A_339 = tpu.vector_load %arg10[%get3A_337, %get3A_338] {strides = array<i32>} : memref<128x128xf32, #tpu.memory_space<vmem>>, vector<16xf32>,
        %get3A_340 = arith.index_cast %add3A_329 : i32 to index
        %get3A_341 = arith.constant 16 : index
        %get3A_342 = tpu.vector_load %arg11[%get3A_340, %get3A_341] {strides = array<i32>} : memref<128x128xf32, #tpu.memory_space<vmem>>, vector<16xf32>,
        %mul3A_343 = arith.mulf %get3A_339, %get3A_342 : vector<16xf32>
        %add3A_344 = arith.addf %mul3A_336, %mul3A_343 : vector<16xf32>
        %get3A_345 = arith.index_cast %add3A_329 : i32 to index
        %get3A_346 = arith.constant 32 : index
        %get3A_347 = tpu.vector_load %arg10[%get3A_345, %get3A_346] {strides = array<i32>} : memref<128x128xf32, #tpu.memory_space<vmem>>, vector<16xf32>,
        %get3A_348 = arith.index_cast %add3A_329 : i32 to index
        %get3A_349 = arith.constant 32 : index
        %get3A_350 = tpu.vector_load %arg11[%get3A_348, %get3A_349] {strides = array<i32>} : memref<128x128xf32, #tpu.memory_space<vmem>>, vector<16xf32>,
        %mul3A_351 = arith.mulf %get3A_347, %get3A_350 : vector<16xf32>
        %add3A_352 = arith.addf %add3A_344, %mul3A_351 : vector<16xf32>
        %get3A_353 = arith.index_cast %add3A_329 : i32 to index
        %get3A_354 = arith.constant 48 : index
        %get3A_355 = tpu.vector_load %arg10[%get3A_353, %get3A_354] {strides = array<i32>} : memref<128x128xf32, #tpu.memory_space<vmem>>, vector<16xf32>,
        %get3A_356 = arith.index_cast %add3A_329 : i32 to index
        %get3A_357 = arith.constant 48 : index
        %get3A_358 = tpu.vector_load %arg11[%get3A_356, %get3A_357] {strides = array<i32>} : memref<128x128xf32, #tpu.memory_space<vmem>>, vector<16xf32>,
        %mul3A_359 = arith.mulf %get3A_355, %get3A_358 : vector<16xf32>
        %add3A_360 = arith.addf %add3A_352, %mul3A_359 : vector<16xf32>
        %get3A_361 = arith.index_cast %add3A_329 : i32 to index
        %get3A_362 = arith.constant 64 : index
        %get3A_363 = tpu.vector_load %arg10[%get3A_361, %get3A_362] {strides = array<i32>} : memref<128x128xf32, #tpu.memory_space<vmem>>, vector<16xf32>,
        %get3A_364 = arith.index_cast %add3A_329 : i32 to index
        %get3A_365 = arith.constant 64 : index
        %get3A_366 = tpu.vector_load %arg11[%get3A_364, %get3A_365] {strides = array<i32>} : memref<128x128xf32, #tpu.memory_space<vmem>>, vector<16xf32>,
        %mul3A_367 = arith.mulf %get3A_363, %get3A_366 : vector<16xf32>
        %add3A_368 = arith.addf %add3A_360, %mul3A_367 : vector<16xf32>
        %get3A_369 = arith.index_cast %add3A_329 : i32 to index
        %get3A_370 = arith.constant 80 : index
        %get3A_371 = tpu.vector_load %arg10[%get3A_369, %get3A_370] {strides = array<i32>} : memref<128x128xf32, #tpu.memory_space<vmem>>, vector<16xf32>,
        %get3A_372 = arith.index_cast %add3A_329 : i32 to index
        %get3A_373 = arith.constant 80 : index
        %get3A_374 = tpu.vector_load %arg11[%get3A_372, %get3A_373] {strides = array<i32>} : memref<128x128xf32, #tpu.memory_space<vmem>>, vector<16xf32>,
        %mul3A_375 = arith.mulf %get3A_371, %get3A_374 : vector<16xf32>
        %add3A_376 = arith.addf %add3A_368, %mul3A_375 : vector<16xf32>
        %get3A_377 = arith.index_cast %add3A_329 : i32 to index
        %get3A_378 = arith.constant 96 : index
        %get3A_379 = tpu.vector_load %arg10[%get3A_377, %get3A_378] {strides = array<i32>} : memref<128x128xf32, #tpu.memory_space<vmem>>, vector<16xf32>,
        %get3A_380 = arith.index_cast %add3A_329 : i32 to index
        %get3A_381 = arith.constant 96 : index
        %get3A_382 = tpu.vector_load %arg11[%get3A_380, %get3A_381] {strides = array<i32>} : memref<128x128xf32, #tpu.memory_space<vmem>>, vector<16xf32>,
        %mul3A_383 = arith.mulf %get3A_379, %get3A_382 : vector<16xf32>
        %add3A_384 = arith.addf %add3A_376, %mul3A_383 : vector<16xf32>
        %get3A_385 = arith.index_cast %add3A_329 : i32 to index
        %get3A_386 = arith.constant 112 : index
        %get3A_387 = tpu.vector_load %arg10[%get3A_385, %get3A_386] {strides = array<i32>} : memref<128x128xf32, #tpu.memory_space<vmem>>, vector<16xf32>,
        %get3A_388 = arith.index_cast %add3A_329 : i32 to index
        %get3A_389 = arith.constant 112 : index
        %get3A_390 = tpu.vector_load %arg11[%get3A_388, %get3A_389] {strides = array<i32>} : memref<128x128xf32, #tpu.memory_space<vmem>>, vector<16xf32>,
        %mul3A_391 = arith.mulf %get3A_387, %get3A_390 : vector<16xf32>
        %add3A_392 = arith.addf %add3A_384, %mul3A_391 : vector<16xf32>
        %swap3A_393 = arith.constant 4 : i32
        %swap3A_394 = arith.index_cast %swap3A_393 : i32 to index
        %swap3A_395 = arith.constant 0 : index
        %swap3A_396 = tpu.vector_load %arg13[%swap3A_394, %swap3A_395] {strides = array<i32>} : memref<16x16xf32, #tpu.memory_space<vmem>>, vector<16xf32>,
        tpu.vector_store %arg13[%swap3A_394, %swap3A_395], %add3A_392 {strides = array<i32>} : memref<16x16xf32, #tpu.memory_space<vmem>>, vector<16xf32>,
        %mul3A_397 = arith.constant 16 : i32
        %mul3A_398 = arith.muli %scan3A_42, %mul3A_397 : i32
        %add3A_399 = arith.constant 5 : i32
        %add3A_400 = arith.addi %mul3A_398, %add3A_399 : i32
        %get3A_401 = arith.index_cast %add3A_400 : i32 to index
        %get3A_402 = arith.constant 0 : index
        %get3A_403 = tpu.vector_load %arg10[%get3A_401, %get3A_402] {strides = array<i32>} : memref<128x128xf32, #tpu.memory_space<vmem>>, vector<16xf32>,
        %get3A_404 = arith.index_cast %add3A_400 : i32 to index
        %get3A_405 = arith.constant 0 : index
        %get3A_406 = tpu.vector_load %arg11[%get3A_404, %get3A_405] {strides = array<i32>} : memref<128x128xf32, #tpu.memory_space<vmem>>, vector<16xf32>,
        %mul3A_407 = arith.mulf %get3A_403, %get3A_406 : vector<16xf32>
        %get3A_408 = arith.index_cast %add3A_400 : i32 to index
        %get3A_409 = arith.constant 16 : index
        %get3A_410 = tpu.vector_load %arg10[%get3A_408, %get3A_409] {strides = array<i32>} : memref<128x128xf32, #tpu.memory_space<vmem>>, vector<16xf32>,
        %get3A_411 = arith.index_cast %add3A_400 : i32 to index
        %get3A_412 = arith.constant 16 : index
        %get3A_413 = tpu.vector_load %arg11[%get3A_411, %get3A_412] {strides = array<i32>} : memref<128x128xf32, #tpu.memory_space<vmem>>, vector<16xf32>,
        %mul3A_414 = arith.mulf %get3A_410, %get3A_413 : vector<16xf32>
        %add3A_415 = arith.addf %mul3A_407, %mul3A_414 : vector<16xf32>
        %get3A_416 = arith.index_cast %add3A_400 : i32 to index
        %get3A_417 = arith.constant 32 : index
        %get3A_418 = tpu.vector_load %arg10[%get3A_416, %get3A_417] {strides = array<i32>} : memref<128x128xf32, #tpu.memory_space<vmem>>, vector<16xf32>,
        %get3A_419 = arith.index_cast %add3A_400 : i32 to index
        %get3A_420 = arith.constant 32 : index
        %get3A_421 = tpu.vector_load %arg11[%get3A_419, %get3A_420] {strides = array<i32>} : memref<128x128xf32, #tpu.memory_space<vmem>>, vector<16xf32>,
        %mul3A_422 = arith.mulf %get3A_418, %get3A_421 : vector<16xf32>
        %add3A_423 = arith.addf %add3A_415, %mul3A_422 : vector<16xf32>
        %get3A_424 = arith.index_cast %add3A_400 : i32 to index
        %get3A_425 = arith.constant 48 : index
        %get3A_426 = tpu.vector_load %arg10[%get3A_424, %get3A_425] {strides = array<i32>} : memref<128x128xf32, #tpu.memory_space<vmem>>, vector<16xf32>,
        %get3A_427 = arith.index_cast %add3A_400 : i32 to index
        %get3A_428 = arith.constant 48 : index
        %get3A_429 = tpu.vector_load %arg11[%get3A_427, %get3A_428] {strides = array<i32>} : memref<128x128xf32, #tpu.memory_space<vmem>>, vector<16xf32>,
        %mul3A_430 = arith.mulf %get3A_426, %get3A_429 : vector<16xf32>
        %add3A_431 = arith.addf %add3A_423, %mul3A_430 : vector<16xf32>
        %get3A_432 = arith.index_cast %add3A_400 : i32 to index
        %get3A_433 = arith.constant 64 : index
        %get3A_434 = tpu.vector_load %arg10[%get3A_432, %get3A_433] {strides = array<i32>} : memref<128x128xf32, #tpu.memory_space<vmem>>, vector<16xf32>,
        %get3A_435 = arith.index_cast %add3A_400 : i32 to index
        %get3A_436 = arith.constant 64 : index
        %get3A_437 = tpu.vector_load %arg11[%get3A_435, %get3A_436] {strides = array<i32>} : memref<128x128xf32, #tpu.memory_space<vmem>>, vector<16xf32>,
        %mul3A_438 = arith.mulf %get3A_434, %get3A_437 : vector<16xf32>
        %add3A_439 = arith.addf %add3A_431, %mul3A_438 : vector<16xf32>
        %get3A_440 = arith.index_cast %add3A_400 : i32 to index
        %get3A_441 = arith.constant 80 : index
        %get3A_442 = tpu.vector_load %arg10[%get3A_440, %get3A_441] {strides = array<i32>} : memref<128x128xf32, #tpu.memory_space<vmem>>, vector<16xf32>,
        %get3A_443 = arith.index_cast %add3A_400 : i32 to index
        %get3A_444 = arith.constant 80 : index
        %get3A_445 = tpu.vector_load %arg11[%get3A_443, %get3A_444] {strides = array<i32>} : memref<128x128xf32, #tpu.memory_space<vmem>>, vector<16xf32>,
        %mul3A_446 = arith.mulf %get3A_442, %get3A_445 : vector<16xf32>
        %add3A_447 = arith.addf %add3A_439, %mul3A_446 : vector<16xf32>
        %get3A_448 = arith.index_cast %add3A_400 : i32 to index
        %get3A_449 = arith.constant 96 : index
        %get3A_450 = tpu.vector_load %arg10[%get3A_448, %get3A_449] {strides = array<i32>} : memref<128x128xf32, #tpu.memory_space<vmem>>, vector<16xf32>,
        %get3A_451 = arith.index_cast %add3A_400 : i32 to index
        %get3A_452 = arith.constant 96 : index
        %get3A_453 = tpu.vector_load %arg11[%get3A_451, %get3A_452] {strides = array<i32>} : memref<128x128xf32, #tpu.memory_space<vmem>>, vector<16xf32>,
        %mul3A_454 = arith.mulf %get3A_450, %get3A_453 : vector<16xf32>
        %add3A_455 = arith.addf %add3A_447, %mul3A_454 : vector<16xf32>
        %get3A_456 = arith.index_cast %add3A_400 : i32 to index
        %get3A_457 = arith.constant 112 : index
        %get3A_458 = tpu.vector_load %arg10[%get3A_456, %get3A_457] {strides = array<i32>} : memref<128x128xf32, #tpu.memory_space<vmem>>, vector<16xf32>,
        %get3A_459 = arith.index_cast %add3A_400 : i32 to index
        %get3A_460 = arith.constant 112 : index
        %get3A_461 = tpu.vector_load %arg11[%get3A_459, %get3A_460] {strides = array<i32>} : memref<128x128xf32, #tpu.memory_space<vmem>>, vector<16xf32>,
        %mul3A_462 = arith.mulf %get3A_458, %get3A_461 : vector<16xf32>
        %add3A_463 = arith.addf %add3A_455, %mul3A_462 : vector<16xf32>
        %swap3A_464 = arith.constant 5 : i32
        %swap3A_465 = arith.index_cast %swap3A_464 : i32 to index
        %swap3A_466 = arith.constant 0 : index
        %swap3A_467 = tpu.vector_load %arg13[%swap3A_465, %swap3A_466] {strides = array<i32>} : memref<16x16xf32, #tpu.memory_space<vmem>>, vector<16xf32>,
        tpu.vector_store %arg13[%swap3A_465, %swap3A_466], %add3A_463 {strides = array<i32>} : memref<16x16xf32, #tpu.memory_space<vmem>>, vector<16xf32>,
        %mul3A_468 = arith.constant 16 : i32
        %mul3A_469 = arith.muli %scan3A_42, %mul3A_468 : i32
        %add3A_470 = arith.constant 6 : i32
        %add3A_471 = arith.addi %mul3A_469, %add3A_470 : i32
        %get3A_472 = arith.index_cast %add3A_471 : i32 to index
        %get3A_473 = arith.constant 0 : index
        %get3A_474 = tpu.vector_load %arg10[%get3A_472, %get3A_473] {strides = array<i32>} : memref<128x128xf32, #tpu.memory_space<vmem>>, vector<16xf32>,
        %get3A_475 = arith.index_cast %add3A_471 : i32 to index
        %get3A_476 = arith.constant 0 : index
        %get3A_477 = tpu.vector_load %arg11[%get3A_475, %get3A_476] {strides = array<i32>} : memref<128x128xf32, #tpu.memory_space<vmem>>, vector<16xf32>,
        %mul3A_478 = arith.mulf %get3A_474, %get3A_477 : vector<16xf32>
        %get3A_479 = arith.index_cast %add3A_471 : i32 to index
        %get3A_480 = arith.constant 16 : index
        %get3A_481 = tpu.vector_load %arg10[%get3A_479, %get3A_480] {strides = array<i32>} : memref<128x128xf32, #tpu.memory_space<vmem>>, vector<16xf32>,
        %get3A_482 = arith.index_cast %add3A_471 : i32 to index
        %get3A_483 = arith.constant 16 : index
        %get3A_484 = tpu.vector_load %arg11[%get3A_482, %get3A_483] {strides = array<i32>} : memref<128x128xf32, #tpu.memory_space<vmem>>, vector<16xf32>,
        %mul3A_485 = arith.mulf %get3A_481, %get3A_484 : vector<16xf32>
        %add3A_486 = arith.addf %mul3A_478, %mul3A_485 : vector<16xf32>
        %get3A_487 = arith.index_cast %add3A_471 : i32 to index
        %get3A_488 = arith.constant 32 : index
        %get3A_489 = tpu.vector_load %arg10[%get3A_487, %get3A_488] {strides = array<i32>} : memref<128x128xf32, #tpu.memory_space<vmem>>, vector<16xf32>,
        %get3A_490 = arith.index_cast %add3A_471 : i32 to index
        %get3A_491 = arith.constant 32 : index
        %get3A_492 = tpu.vector_load %arg11[%get3A_490, %get3A_491] {strides = array<i32>} : memref<128x128xf32, #tpu.memory_space<vmem>>, vector<16xf32>,
        %mul3A_493 = arith.mulf %get3A_489, %get3A_492 : vector<16xf32>
        %add3A_494 = arith.addf %add3A_486, %mul3A_493 : vector<16xf32>
        %get3A_495 = arith.index_cast %add3A_471 : i32 to index
        %get3A_496 = arith.constant 48 : index
        %get3A_497 = tpu.vector_load %arg10[%get3A_495, %get3A_496] {strides = array<i32>} : memref<128x128xf32, #tpu.memory_space<vmem>>, vector<16xf32>,
        %get3A_498 = arith.index_cast %add3A_471 : i32 to index
        %get3A_499 = arith.constant 48 : index
        %get3A_500 = tpu.vector_load %arg11[%get3A_498, %get3A_499] {strides = array<i32>} : memref<128x128xf32, #tpu.memory_space<vmem>>, vector<16xf32>,
        %mul3A_501 = arith.mulf %get3A_497, %get3A_500 : vector<16xf32>
        %add3A_502 = arith.addf %add3A_494, %mul3A_501 : vector<16xf32>
        %get3A_503 = arith.index_cast %add3A_471 : i32 to index
        %get3A_504 = arith.constant 64 : index
        %get3A_505 = tpu.vector_load %arg10[%get3A_503, %get3A_504] {strides = array<i32>} : memref<128x128xf32, #tpu.memory_space<vmem>>, vector<16xf32>,
        %get3A_506 = arith.index_cast %add3A_471 : i32 to index
        %get3A_507 = arith.constant 64 : index
        %get3A_508 = tpu.vector_load %arg11[%get3A_506, %get3A_507] {strides = array<i32>} : memref<128x128xf32, #tpu.memory_space<vmem>>, vector<16xf32>,
        %mul3A_509 = arith.mulf %get3A_505, %get3A_508 : vector<16xf32>
        %add3A_510 = arith.addf %add3A_502, %mul3A_509 : vector<16xf32>
        %get3A_511 = arith.index_cast %add3A_471 : i32 to index
        %get3A_512 = arith.constant 80 : index
        %get3A_513 = tpu.vector_load %arg10[%get3A_511, %get3A_512] {strides = array<i32>} : memref<128x128xf32, #tpu.memory_space<vmem>>, vector<16xf32>,
        %get3A_514 = arith.index_cast %add3A_471 : i32 to index
        %get3A_515 = arith.constant 80 : index
        %get3A_516 = tpu.vector_load %arg11[%get3A_514, %get3A_515] {strides = array<i32>} : memref<128x128xf32, #tpu.memory_space<vmem>>, vector<16xf32>,
        %mul3A_517 = arith.mulf %get3A_513, %get3A_516 : vector<16xf32>
        %add3A_518 = arith.addf %add3A_510, %mul3A_517 : vector<16xf32>
        %get3A_519 = arith.index_cast %add3A_471 : i32 to index
        %get3A_520 = arith.constant 96 : index
        %get3A_521 = tpu.vector_load %arg10[%get3A_519, %get3A_520] {strides = array<i32>} : memref<128x128xf32, #tpu.memory_space<vmem>>, vector<16xf32>,
        %get3A_522 = arith.index_cast %add3A_471 : i32 to index
        %get3A_523 = arith.constant 96 : index
        %get3A_524 = tpu.vector_load %arg11[%get3A_522, %get3A_523] {strides = array<i32>} : memref<128x128xf32, #tpu.memory_space<vmem>>, vector<16xf32>,
        %mul3A_525 = arith.mulf %get3A_521, %get3A_524 : vector<16xf32>
        %add3A_526 = arith.addf %add3A_518, %mul3A_525 : vector<16xf32>
        %get3A_527 = arith.index_cast %add3A_471 : i32 to index
        %get3A_528 = arith.constant 112 : index
        %get3A_529 = tpu.vector_load %arg10[%get3A_527, %get3A_528] {strides = array<i32>} : memref<128x128xf32, #tpu.memory_space<vmem>>, vector<16xf32>,
        %get3A_530 = arith.index_cast %add3A_471 : i32 to index
        %get3A_531 = arith.constant 112 : index
        %get3A_532 = tpu.vector_load %arg11[%get3A_530, %get3A_531] {strides = array<i32>} : memref<128x128xf32, #tpu.memory_space<vmem>>, vector<16xf32>,
        %mul3A_533 = arith.mulf %get3A_529, %get3A_532 : vector<16xf32>
        %add3A_534 = arith.addf %add3A_526, %mul3A_533 : vector<16xf32>
        %swap3A_535 = arith.constant 6 : i32
        %swap3A_536 = arith.index_cast %swap3A_535 : i32 to index
        %swap3A_537 = arith.constant 0 : index
        %swap3A_538 = tpu.vector_load %arg13[%swap3A_536, %swap3A_537] {strides = array<i32>} : memref<16x16xf32, #tpu.memory_space<vmem>>, vector<16xf32>,
        tpu.vector_store %arg13[%swap3A_536, %swap3A_537], %add3A_534 {strides = array<i32>} : memref<16x16xf32, #tpu.memory_space<vmem>>, vector<16xf32>,
        %mul3A_539 = arith.constant 16 : i32
        %mul3A_540 = arith.muli %scan3A_42, %mul3A_539 : i32
        %add3A_541 = arith.constant 7 : i32
        %add3A_542 = arith.addi %mul3A_540, %add3A_541 : i32
        %get3A_543 = arith.index_cast %add3A_542 : i32 to index
        %get3A_544 = arith.constant 0 : index
        %get3A_545 = tpu.vector_load %arg10[%get3A_543, %get3A_544] {strides = array<i32>} : memref<128x128xf32, #tpu.memory_space<vmem>>, vector<16xf32>,
        %get3A_546 = arith.index_cast %add3A_542 : i32 to index
        %get3A_547 = arith.constant 0 : index
        %get3A_548 = tpu.vector_load %arg11[%get3A_546, %get3A_547] {strides = array<i32>} : memref<128x128xf32, #tpu.memory_space<vmem>>, vector<16xf32>,
        %mul3A_549 = arith.mulf %get3A_545, %get3A_548 : vector<16xf32>
        %get3A_550 = arith.index_cast %add3A_542 : i32 to index
        %get3A_551 = arith.constant 16 : index
        %get3A_552 = tpu.vector_load %arg10[%get3A_550, %get3A_551] {strides = array<i32>} : memref<128x128xf32, #tpu.memory_space<vmem>>, vector<16xf32>,
        %get3A_553 = arith.index_cast %add3A_542 : i32 to index
        %get3A_554 = arith.constant 16 : index
        %get3A_555 = tpu.vector_load %arg11[%get3A_553, %get3A_554] {strides = array<i32>} : memref<128x128xf32, #tpu.memory_space<vmem>>, vector<16xf32>,
        %mul3A_556 = arith.mulf %get3A_552, %get3A_555 : vector<16xf32>
        %add3A_557 = arith.addf %mul3A_549, %mul3A_556 : vector<16xf32>
        %get3A_558 = arith.index_cast %add3A_542 : i32 to index
        %get3A_559 = arith.constant 32 : index
        %get3A_560 = tpu.vector_load %arg10[%get3A_558, %get3A_559] {strides = array<i32>} : memref<128x128xf32, #tpu.memory_space<vmem>>, vector<16xf32>,
        %get3A_561 = arith.index_cast %add3A_542 : i32 to index
        %get3A_562 = arith.constant 32 : index
        %get3A_563 = tpu.vector_load %arg11[%get3A_561, %get3A_562] {strides = array<i32>} : memref<128x128xf32, #tpu.memory_space<vmem>>, vector<16xf32>,
        %mul3A_564 = arith.mulf %get3A_560, %get3A_563 : vector<16xf32>
        %add3A_565 = arith.addf %add3A_557, %mul3A_564 : vector<16xf32>
        %get3A_566 = arith.index_cast %add3A_542 : i32 to index
        %get3A_567 = arith.constant 48 : index
        %get3A_568 = tpu.vector_load %arg10[%get3A_566, %get3A_567] {strides = array<i32>} : memref<128x128xf32, #tpu.memory_space<vmem>>, vector<16xf32>,
        %get3A_569 = arith.index_cast %add3A_542 : i32 to index
        %get3A_570 = arith.constant 48 : index
        %get3A_571 = tpu.vector_load %arg11[%get3A_569, %get3A_570] {strides = array<i32>} : memref<128x128xf32, #tpu.memory_space<vmem>>, vector<16xf32>,
        %mul3A_572 = arith.mulf %get3A_568, %get3A_571 : vector<16xf32>
        %add3A_573 = arith.addf %add3A_565, %mul3A_572 : vector<16xf32>
        %get3A_574 = arith.index_cast %add3A_542 : i32 to index
        %get3A_575 = arith.constant 64 : index
        %get3A_576 = tpu.vector_load %arg10[%get3A_574, %get3A_575] {strides = array<i32>} : memref<128x128xf32, #tpu.memory_space<vmem>>, vector<16xf32>,
        %get3A_577 = arith.index_cast %add3A_542 : i32 to index
        %get3A_578 = arith.constant 64 : index
        %get3A_579 = tpu.vector_load %arg11[%get3A_577, %get3A_578] {strides = array<i32>} : memref<128x128xf32, #tpu.memory_space<vmem>>, vector<16xf32>,
        %mul3A_580 = arith.mulf %get3A_576, %get3A_579 : vector<16xf32>
        %add3A_581 = arith.addf %add3A_573, %mul3A_580 : vector<16xf32>
        %get3A_582 = arith.index_cast %add3A_542 : i32 to index
        %get3A_583 = arith.constant 80 : index
        %get3A_584 = tpu.vector_load %arg10[%get3A_582, %get3A_583] {strides = array<i32>} : memref<128x128xf32, #tpu.memory_space<vmem>>, vector<16xf32>,
        %get3A_585 = arith.index_cast %add3A_542 : i32 to index
        %get3A_586 = arith.constant 80 : index
        %get3A_587 = tpu.vector_load %arg11[%get3A_585, %get3A_586] {strides = array<i32>} : memref<128x128xf32, #tpu.memory_space<vmem>>, vector<16xf32>,
        %mul3A_588 = arith.mulf %get3A_584, %get3A_587 : vector<16xf32>
        %add3A_589 = arith.addf %add3A_581, %mul3A_588 : vector<16xf32>
        %get3A_590 = arith.index_cast %add3A_542 : i32 to index
        %get3A_591 = arith.constant 96 : index
        %get3A_592 = tpu.vector_load %arg10[%get3A_590, %get3A_591] {strides = array<i32>} : memref<128x128xf32, #tpu.memory_space<vmem>>, vector<16xf32>,
        %get3A_593 = arith.index_cast %add3A_542 : i32 to index
        %get3A_594 = arith.constant 96 : index
        %get3A_595 = tpu.vector_load %arg11[%get3A_593, %get3A_594] {strides = array<i32>} : memref<128x128xf32, #tpu.memory_space<vmem>>, vector<16xf32>,
        %mul3A_596 = arith.mulf %get3A_592, %get3A_595 : vector<16xf32>
        %add3A_597 = arith.addf %add3A_589, %mul3A_596 : vector<16xf32>
        %get3A_598 = arith.index_cast %add3A_542 : i32 to index
        %get3A_599 = arith.constant 112 : index
        %get3A_600 = tpu.vector_load %arg10[%get3A_598, %get3A_599] {strides = array<i32>} : memref<128x128xf32, #tpu.memory_space<vmem>>, vector<16xf32>,
        %get3A_601 = arith.index_cast %add3A_542 : i32 to index
        %get3A_602 = arith.constant 112 : index
        %get3A_603 = tpu.vector_load %arg11[%get3A_601, %get3A_602] {strides = array<i32>} : memref<128x128xf32, #tpu.memory_space<vmem>>, vector<16xf32>,
        %mul3A_604 = arith.mulf %get3A_600, %get3A_603 : vector<16xf32>
        %add3A_605 = arith.addf %add3A_597, %mul3A_604 : vector<16xf32>
        %swap3A_606 = arith.constant 7 : i32
        %swap3A_607 = arith.index_cast %swap3A_606 : i32 to index
        %swap3A_608 = arith.constant 0 : index
        %swap3A_609 = tpu.vector_load %arg13[%swap3A_607, %swap3A_608] {strides = array<i32>} : memref<16x16xf32, #tpu.memory_space<vmem>>, vector<16xf32>,
        tpu.vector_store %arg13[%swap3A_607, %swap3A_608], %add3A_605 {strides = array<i32>} : memref<16x16xf32, #tpu.memory_space<vmem>>, vector<16xf32>,
        %mul3A_610 = arith.constant 16 : i32
        %mul3A_611 = arith.muli %scan3A_42, %mul3A_610 : i32
        %add3A_612 = arith.constant 8 : i32
        %add3A_613 = arith.addi %mul3A_611, %add3A_612 : i32
        %get3A_614 = arith.index_cast %add3A_613 : i32 to index
        %get3A_615 = arith.constant 0 : index
        %get3A_616 = tpu.vector_load %arg10[%get3A_614, %get3A_615] {strides = array<i32>} : memref<128x128xf32, #tpu.memory_space<vmem>>, vector<16xf32>,
        %get3A_617 = arith.index_cast %add3A_613 : i32 to index
        %get3A_618 = arith.constant 0 : index
        %get3A_619 = tpu.vector_load %arg11[%get3A_617, %get3A_618] {strides = array<i32>} : memref<128x128xf32, #tpu.memory_space<vmem>>, vector<16xf32>,
        %mul3A_620 = arith.mulf %get3A_616, %get3A_619 : vector<16xf32>
        %get3A_621 = arith.index_cast %add3A_613 : i32 to index
        %get3A_622 = arith.constant 16 : index
        %get3A_623 = tpu.vector_load %arg10[%get3A_621, %get3A_622] {strides = array<i32>} : memref<128x128xf32, #tpu.memory_space<vmem>>, vector<16xf32>,
        %get3A_624 = arith.index_cast %add3A_613 : i32 to index
        %get3A_625 = arith.constant 16 : index
        %get3A_626 = tpu.vector_load %arg11[%get3A_624, %get3A_625] {strides = array<i32>} : memref<128x128xf32, #tpu.memory_space<vmem>>, vector<16xf32>,
        %mul3A_627 = arith.mulf %get3A_623, %get3A_626 : vector<16xf32>
        %add3A_628 = arith.addf %mul3A_620, %mul3A_627 : vector<16xf32>
        %get3A_629 = arith.index_cast %add3A_613 : i32 to index
        %get3A_630 = arith.constant 32 : index
        %get3A_631 = tpu.vector_load %arg10[%get3A_629, %get3A_630] {strides = array<i32>} : memref<128x128xf32, #tpu.memory_space<vmem>>, vector<16xf32>,
        %get3A_632 = arith.index_cast %add3A_613 : i32 to index
        %get3A_633 = arith.constant 32 : index
        %get3A_634 = tpu.vector_load %arg11[%get3A_632, %get3A_633] {strides = array<i32>} : memref<128x128xf32, #tpu.memory_space<vmem>>, vector<16xf32>,
        %mul3A_635 = arith.mulf %get3A_631, %get3A_634 : vector<16xf32>
        %add3A_636 = arith.addf %add3A_628, %mul3A_635 : vector<16xf32>
        %get3A_637 = arith.index_cast %add3A_613 : i32 to index
        %get3A_638 = arith.constant 48 : index
        %get3A_639 = tpu.vector_load %arg10[%get3A_637, %get3A_638] {strides = array<i32>} : memref<128x128xf32, #tpu.memory_space<vmem>>, vector<16xf32>,
        %get3A_640 = arith.index_cast %add3A_613 : i32 to index
        %get3A_641 = arith.constant 48 : index
        %get3A_642 = tpu.vector_load %arg11[%get3A_640, %get3A_641] {strides = array<i32>} : memref<128x128xf32, #tpu.memory_space<vmem>>, vector<16xf32>,
        %mul3A_643 = arith.mulf %get3A_639, %get3A_642 : vector<16xf32>
        %add3A_644 = arith.addf %add3A_636, %mul3A_643 : vector<16xf32>
        %get3A_645 = arith.index_cast %add3A_613 : i32 to index
        %get3A_646 = arith.constant 64 : index
        %get3A_647 = tpu.vector_load %arg10[%get3A_645, %get3A_646] {strides = array<i32>} : memref<128x128xf32, #tpu.memory_space<vmem>>, vector<16xf32>,
        %get3A_648 = arith.index_cast %add3A_613 : i32 to index
        %get3A_649 = arith.constant 64 : index
        %get3A_650 = tpu.vector_load %arg11[%get3A_648, %get3A_649] {strides = array<i32>} : memref<128x128xf32, #tpu.memory_space<vmem>>, vector<16xf32>,
        %mul3A_651 = arith.mulf %get3A_647, %get3A_650 : vector<16xf32>
        %add3A_652 = arith.addf %add3A_644, %mul3A_651 : vector<16xf32>
        %get3A_653 = arith.index_cast %add3A_613 : i32 to index
        %get3A_654 = arith.constant 80 : index
        %get3A_655 = tpu.vector_load %arg10[%get3A_653, %get3A_654] {strides = array<i32>} : memref<128x128xf32, #tpu.memory_space<vmem>>, vector<16xf32>,
        %get3A_656 = arith.index_cast %add3A_613 : i32 to index
        %get3A_657 = arith.constant 80 : index
        %get3A_658 = tpu.vector_load %arg11[%get3A_656, %get3A_657] {strides = array<i32>} : memref<128x128xf32, #tpu.memory_space<vmem>>, vector<16xf32>,
        %mul3A_659 = arith.mulf %get3A_655, %get3A_658 : vector<16xf32>
        %add3A_660 = arith.addf %add3A_652, %mul3A_659 : vector<16xf32>
        %get3A_661 = arith.index_cast %add3A_613 : i32 to index
        %get3A_662 = arith.constant 96 : index
        %get3A_663 = tpu.vector_load %arg10[%get3A_661, %get3A_662] {strides = array<i32>} : memref<128x128xf32, #tpu.memory_space<vmem>>, vector<16xf32>,
        %get3A_664 = arith.index_cast %add3A_613 : i32 to index
        %get3A_665 = arith.constant 96 : index
        %get3A_666 = tpu.vector_load %arg11[%get3A_664, %get3A_665] {strides = array<i32>} : memref<128x128xf32, #tpu.memory_space<vmem>>, vector<16xf32>,
        %mul3A_667 = arith.mulf %get3A_663, %get3A_666 : vector<16xf32>
        %add3A_668 = arith.addf %add3A_660, %mul3A_667 : vector<16xf32>
        %get3A_669 = arith.index_cast %add3A_613 : i32 to index
        %get3A_670 = arith.constant 112 : index
        %get3A_671 = tpu.vector_load %arg10[%get3A_669, %get3A_670] {strides = array<i32>} : memref<128x128xf32, #tpu.memory_space<vmem>>, vector<16xf32>,
        %get3A_672 = arith.index_cast %add3A_613 : i32 to index
        %get3A_673 = arith.constant 112 : index
        %get3A_674 = tpu.vector_load %arg11[%get3A_672, %get3A_673] {strides = array<i32>} : memref<128x128xf32, #tpu.memory_space<vmem>>, vector<16xf32>,
        %mul3A_675 = arith.mulf %get3A_671, %get3A_674 : vector<16xf32>
        %add3A_676 = arith.addf %add3A_668, %mul3A_675 : vector<16xf32>
        %swap3A_677 = arith.constant 8 : i32
        %swap3A_678 = arith.index_cast %swap3A_677 : i32 to index
        %swap3A_679 = arith.constant 0 : index
        %swap3A_680 = tpu.vector_load %arg13[%swap3A_678, %swap3A_679] {strides = array<i32>} : memref<16x16xf32, #tpu.memory_space<vmem>>, vector<16xf32>,
        tpu.vector_store %arg13[%swap3A_678, %swap3A_679], %add3A_676 {strides = array<i32>} : memref<16x16xf32, #tpu.memory_space<vmem>>, vector<16xf32>,
        %mul3A_681 = arith.constant 16 : i32
        %mul3A_682 = arith.muli %scan3A_42, %mul3A_681 : i32
        %add3A_683 = arith.constant 9 : i32
        %add3A_684 = arith.addi %mul3A_682, %add3A_683 : i32
        %get3A_685 = arith.index_cast %add3A_684 : i32 to index
        %get3A_686 = arith.constant 0 : index
        %get3A_687 = tpu.vector_load %arg10[%get3A_685, %get3A_686] {strides = array<i32>} : memref<128x128xf32, #tpu.memory_space<vmem>>, vector<16xf32>,
        %get3A_688 = arith.index_cast %add3A_684 : i32 to index
        %get3A_689 = arith.constant 0 : index
        %get3A_690 = tpu.vector_load %arg11[%get3A_688, %get3A_689] {strides = array<i32>} : memref<128x128xf32, #tpu.memory_space<vmem>>, vector<16xf32>,
        %mul3A_691 = arith.mulf %get3A_687, %get3A_690 : vector<16xf32>
        %get3A_692 = arith.index_cast %add3A_684 : i32 to index
        %get3A_693 = arith.constant 16 : index
        %get3A_694 = tpu.vector_load %arg10[%get3A_692, %get3A_693] {strides = array<i32>} : memref<128x128xf32, #tpu.memory_space<vmem>>, vector<16xf32>,
        %get3A_695 = arith.index_cast %add3A_684 : i32 to index
        %get3A_696 = arith.constant 16 : index
        %get3A_697 = tpu.vector_load %arg11[%get3A_695, %get3A_696] {strides = array<i32>} : memref<128x128xf32, #tpu.memory_space<vmem>>, vector<16xf32>,
        %mul3A_698 = arith.mulf %get3A_694, %get3A_697 : vector<16xf32>
        %add3A_699 = arith.addf %mul3A_691, %mul3A_698 : vector<16xf32>
        %get3A_700 = arith.index_cast %add3A_684 : i32 to index
        %get3A_701 = arith.constant 32 : index
        %get3A_702 = tpu.vector_load %arg10[%get3A_700, %get3A_701] {strides = array<i32>} : memref<128x128xf32, #tpu.memory_space<vmem>>, vector<16xf32>,
        %get3A_703 = arith.index_cast %add3A_684 : i32 to index
        %get3A_704 = arith.constant 32 : index
        %get3A_705 = tpu.vector_load %arg11[%get3A_703, %get3A_704] {strides = array<i32>} : memref<128x128xf32, #tpu.memory_space<vmem>>, vector<16xf32>,
        %mul3A_706 = arith.mulf %get3A_702, %get3A_705 : vector<16xf32>
        %add3A_707 = arith.addf %add3A_699, %mul3A_706 : vector<16xf32>
        %get3A_708 = arith.index_cast %add3A_684 : i32 to index
        %get3A_709 = arith.constant 48 : index
        %get3A_710 = tpu.vector_load %arg10[%get3A_708, %get3A_709] {strides = array<i32>} : memref<128x128xf32, #tpu.memory_space<vmem>>, vector<16xf32>,
        %get3A_711 = arith.index_cast %add3A_684 : i32 to index
        %get3A_712 = arith.constant 48 : index
        %get3A_713 = tpu.vector_load %arg11[%get3A_711, %get3A_712] {strides = array<i32>} : memref<128x128xf32, #tpu.memory_space<vmem>>, vector<16xf32>,
        %mul3A_714 = arith.mulf %get3A_710, %get3A_713 : vector<16xf32>
        %add3A_715 = arith.addf %add3A_707, %mul3A_714 : vector<16xf32>
        %get3A_716 = arith.index_cast %add3A_684 : i32 to index
        %get3A_717 = arith.constant 64 : index
        %get3A_718 = tpu.vector_load %arg10[%get3A_716, %get3A_717] {strides = array<i32>} : memref<128x128xf32, #tpu.memory_space<vmem>>, vector<16xf32>,
        %get3A_719 = arith.index_cast %add3A_684 : i32 to index
        %get3A_720 = arith.constant 64 : index
        %get3A_721 = tpu.vector_load %arg11[%get3A_719, %get3A_720] {strides = array<i32>} : memref<128x128xf32, #tpu.memory_space<vmem>>, vector<16xf32>,
        %mul3A_722 = arith.mulf %get3A_718, %get3A_721 : vector<16xf32>
        %add3A_723 = arith.addf %add3A_715, %mul3A_722 : vector<16xf32>
        %get3A_724 = arith.index_cast %add3A_684 : i32 to index
        %get3A_725 = arith.constant 80 : index
        %get3A_726 = tpu.vector_load %arg10[%get3A_724, %get3A_725] {strides = array<i32>} : memref<128x128xf32, #tpu.memory_space<vmem>>, vector<16xf32>,
        %get3A_727 = arith.index_cast %add3A_684 : i32 to index
        %get3A_728 = arith.constant 80 : index
        %get3A_729 = tpu.vector_load %arg11[%get3A_727, %get3A_728] {strides = array<i32>} : memref<128x128xf32, #tpu.memory_space<vmem>>, vector<16xf32>,
        %mul3A_730 = arith.mulf %get3A_726, %get3A_729 : vector<16xf32>
        %add3A_731 = arith.addf %add3A_723, %mul3A_730 : vector<16xf32>
        %get3A_732 = arith.index_cast %add3A_684 : i32 to index
        %get3A_733 = arith.constant 96 : index
        %get3A_734 = tpu.vector_load %arg10[%get3A_732, %get3A_733] {strides = array<i32>} : memref<128x128xf32, #tpu.memory_space<vmem>>, vector<16xf32>,
        %get3A_735 = arith.index_cast %add3A_684 : i32 to index
        %get3A_736 = arith.constant 96 : index
        %get3A_737 = tpu.vector_load %arg11[%get3A_735, %get3A_736] {strides = array<i32>} : memref<128x128xf32, #tpu.memory_space<vmem>>, vector<16xf32>,
        %mul3A_738 = arith.mulf %get3A_734, %get3A_737 : vector<16xf32>
        %add3A_739 = arith.addf %add3A_731, %mul3A_738 : vector<16xf32>
        %get3A_740 = arith.index_cast %add3A_684 : i32 to index
        %get3A_741 = arith.constant 112 : index
        %get3A_742 = tpu.vector_load %arg10[%get3A_740, %get3A_741] {strides = array<i32>} : memref<128x128xf32, #tpu.memory_space<vmem>>, vector<16xf32>,
        %get3A_743 = arith.index_cast %add3A_684 : i32 to index
        %get3A_744 = arith.constant 112 : index
        %get3A_745 = tpu.vector_load %arg11[%get3A_743, %get3A_744] {strides = array<i32>} : memref<128x128xf32, #tpu.memory_space<vmem>>, vector<16xf32>,
        %mul3A_746 = arith.mulf %get3A_742, %get3A_745 : vector<16xf32>
        %add3A_747 = arith.addf %add3A_739, %mul3A_746 : vector<16xf32>
        %swap3A_748 = arith.constant 9 : i32
        %swap3A_749 = arith.index_cast %swap3A_748 : i32 to index
        %swap3A_750 = arith.constant 0 : index
        %swap3A_751 = tpu.vector_load %arg13[%swap3A_749, %swap3A_750] {strides = array<i32>} : memref<16x16xf32, #tpu.memory_space<vmem>>, vector<16xf32>,
        tpu.vector_store %arg13[%swap3A_749, %swap3A_750], %add3A_747 {strides = array<i32>} : memref<16x16xf32, #tpu.memory_space<vmem>>, vector<16xf32>,
        %mul3A_752 = arith.constant 16 : i32
        %mul3A_753 = arith.muli %scan3A_42, %mul3A_752 : i32
        %add3A_754 = arith.constant 10 : i32
        %add3A_755 = arith.addi %mul3A_753, %add3A_754 : i32
        %get3A_756 = arith.index_cast %add3A_755 : i32 to index
        %get3A_757 = arith.constant 0 : index
        %get3A_758 = tpu.vector_load %arg10[%get3A_756, %get3A_757] {strides = array<i32>} : memref<128x128xf32, #tpu.memory_space<vmem>>, vector<16xf32>,
        %get3A_759 = arith.index_cast %add3A_755 : i32 to index
        %get3A_760 = arith.constant 0 : index
        %get3A_761 = tpu.vector_load %arg11[%get3A_759, %get3A_760] {strides = array<i32>} : memref<128x128xf32, #tpu.memory_space<vmem>>, vector<16xf32>,
        %mul3A_762 = arith.mulf %get3A_758, %get3A_761 : vector<16xf32>
        %get3A_763 = arith.index_cast %add3A_755 : i32 to index
        %get3A_764 = arith.constant 16 : index
        %get3A_765 = tpu.vector_load %arg10[%get3A_763, %get3A_764] {strides = array<i32>} : memref<128x128xf32, #tpu.memory_space<vmem>>, vector<16xf32>,
        %get3A_766 = arith.index_cast %add3A_755 : i32 to index
        %get3A_767 = arith.constant 16 : index
        %get3A_768 = tpu.vector_load %arg11[%get3A_766, %get3A_767] {strides = array<i32>} : memref<128x128xf32, #tpu.memory_space<vmem>>, vector<16xf32>,
        %mul3A_769 = arith.mulf %get3A_765, %get3A_768 : vector<16xf32>
        %add3A_770 = arith.addf %mul3A_762, %mul3A_769 : vector<16xf32>
        %get3A_771 = arith.index_cast %add3A_755 : i32 to index
        %get3A_772 = arith.constant 32 : index
        %get3A_773 = tpu.vector_load %arg10[%get3A_771, %get3A_772] {strides = array<i32>} : memref<128x128xf32, #tpu.memory_space<vmem>>, vector<16xf32>,
        %get3A_774 = arith.index_cast %add3A_755 : i32 to index
        %get3A_775 = arith.constant 32 : index
        %get3A_776 = tpu.vector_load %arg11[%get3A_774, %get3A_775] {strides = array<i32>} : memref<128x128xf32, #tpu.memory_space<vmem>>, vector<16xf32>,
        %mul3A_777 = arith.mulf %get3A_773, %get3A_776 : vector<16xf32>
        %add3A_778 = arith.addf %add3A_770, %mul3A_777 : vector<16xf32>
        %get3A_779 = arith.index_cast %add3A_755 : i32 to index
        %get3A_780 = arith.constant 48 : index
        %get3A_781 = tpu.vector_load %arg10[%get3A_779, %get3A_780] {strides = array<i32>} : memref<128x128xf32, #tpu.memory_space<vmem>>, vector<16xf32>,
        %get3A_782 = arith.index_cast %add3A_755 : i32 to index
        %get3A_783 = arith.constant 48 : index
        %get3A_784 = tpu.vector_load %arg11[%get3A_782, %get3A_783] {strides = array<i32>} : memref<128x128xf32, #tpu.memory_space<vmem>>, vector<16xf32>,
        %mul3A_785 = arith.mulf %get3A_781, %get3A_784 : vector<16xf32>
        %add3A_786 = arith.addf %add3A_778, %mul3A_785 : vector<16xf32>
        %get3A_787 = arith.index_cast %add3A_755 : i32 to index
        %get3A_788 = arith.constant 64 : index
        %get3A_789 = tpu.vector_load %arg10[%get3A_787, %get3A_788] {strides = array<i32>} : memref<128x128xf32, #tpu.memory_space<vmem>>, vector<16xf32>,
        %get3A_790 = arith.index_cast %add3A_755 : i32 to index
        %get3A_791 = arith.constant 64 : index
        %get3A_792 = tpu.vector_load %arg11[%get3A_790, %get3A_791] {strides = array<i32>} : memref<128x128xf32, #tpu.memory_space<vmem>>, vector<16xf32>,
        %mul3A_793 = arith.mulf %get3A_789, %get3A_792 : vector<16xf32>
        %add3A_794 = arith.addf %add3A_786, %mul3A_793 : vector<16xf32>
        %get3A_795 = arith.index_cast %add3A_755 : i32 to index
        %get3A_796 = arith.constant 80 : index
        %get3A_797 = tpu.vector_load %arg10[%get3A_795, %get3A_796] {strides = array<i32>} : memref<128x128xf32, #tpu.memory_space<vmem>>, vector<16xf32>,
        %get3A_798 = arith.index_cast %add3A_755 : i32 to index
        %get3A_799 = arith.constant 80 : index
        %get3A_800 = tpu.vector_load %arg11[%get3A_798, %get3A_799] {strides = array<i32>} : memref<128x128xf32, #tpu.memory_space<vmem>>, vector<16xf32>,
        %mul3A_801 = arith.mulf %get3A_797, %get3A_800 : vector<16xf32>
        %add3A_802 = arith.addf %add3A_794, %mul3A_801 : vector<16xf32>
        %get3A_803 = arith.index_cast %add3A_755 : i32 to index
        %get3A_804 = arith.constant 96 : index
        %get3A_805 = tpu.vector_load %arg10[%get3A_803, %get3A_804] {strides = array<i32>} : memref<128x128xf32, #tpu.memory_space<vmem>>, vector<16xf32>,
        %get3A_806 = arith.index_cast %add3A_755 : i32 to index
        %get3A_807 = arith.constant 96 : index
        %get3A_808 = tpu.vector_load %arg11[%get3A_806, %get3A_807] {strides = array<i32>} : memref<128x128xf32, #tpu.memory_space<vmem>>, vector<16xf32>,
        %mul3A_809 = arith.mulf %get3A_805, %get3A_808 : vector<16xf32>
        %add3A_810 = arith.addf %add3A_802, %mul3A_809 : vector<16xf32>
        %get3A_811 = arith.index_cast %add3A_755 : i32 to index
        %get3A_812 = arith.constant 112 : index
        %get3A_813 = tpu.vector_load %arg10[%get3A_811, %get3A_812] {strides = array<i32>} : memref<128x128xf32, #tpu.memory_space<vmem>>, vector<16xf32>,
        %get3A_814 = arith.index_cast %add3A_755 : i32 to index
        %get3A_815 = arith.constant 112 : index
        %get3A_816 = tpu.vector_load %arg11[%get3A_814, %get3A_815] {strides = array<i32>} : memref<128x128xf32, #tpu.memory_space<vmem>>, vector<16xf32>,
        %mul3A_817 = arith.mulf %get3A_813, %get3A_816 : vector<16xf32>
        %add3A_818 = arith.addf %add3A_810, %mul3A_817 : vector<16xf32>
        %swap3A_819 = arith.constant 10 : i32
        %swap3A_820 = arith.index_cast %swap3A_819 : i32 to index
        %swap3A_821 = arith.constant 0 : index
        %swap3A_822 = tpu.vector_load %arg13[%swap3A_820, %swap3A_821] {strides = array<i32>} : memref<16x16xf32, #tpu.memory_space<vmem>>, vector<16xf32>,
        tpu.vector_store %arg13[%swap3A_820, %swap3A_821], %add3A_818 {strides = array<i32>} : memref<16x16xf32, #tpu.memory_space<vmem>>, vector<16xf32>,
        %mul3A_823 = arith.constant 16 : i32
        %mul3A_824 = arith.muli %scan3A_42, %mul3A_823 : i32
        %add3A_825 = arith.constant 11 : i32
        %add3A_826 = arith.addi %mul3A_824, %add3A_825 : i32
        %get3A_827 = arith.index_cast %add3A_826 : i32 to index
        %get3A_828 = arith.constant 0 : index
        %get3A_829 = tpu.vector_load %arg10[%get3A_827, %get3A_828] {strides = array<i32>} : memref<128x128xf32, #tpu.memory_space<vmem>>, vector<16xf32>,
        %get3A_830 = arith.index_cast %add3A_826 : i32 to index
        %get3A_831 = arith.constant 0 : index
        %get3A_832 = tpu.vector_load %arg11[%get3A_830, %get3A_831] {strides = array<i32>} : memref<128x128xf32, #tpu.memory_space<vmem>>, vector<16xf32>,
        %mul3A_833 = arith.mulf %get3A_829, %get3A_832 : vector<16xf32>
        %get3A_834 = arith.index_cast %add3A_826 : i32 to index
        %get3A_835 = arith.constant 16 : index
        %get3A_836 = tpu.vector_load %arg10[%get3A_834, %get3A_835] {strides = array<i32>} : memref<128x128xf32, #tpu.memory_space<vmem>>, vector<16xf32>,
        %get3A_837 = arith.index_cast %add3A_826 : i32 to index
        %get3A_838 = arith.constant 16 : index
        %get3A_839 = tpu.vector_load %arg11[%get3A_837, %get3A_838] {strides = array<i32>} : memref<128x128xf32, #tpu.memory_space<vmem>>, vector<16xf32>,
        %mul3A_840 = arith.mulf %get3A_836, %get3A_839 : vector<16xf32>
        %add3A_841 = arith.addf %mul3A_833, %mul3A_840 : vector<16xf32>
        %get3A_842 = arith.index_cast %add3A_826 : i32 to index
        %get3A_843 = arith.constant 32 : index
        %get3A_844 = tpu.vector_load %arg10[%get3A_842, %get3A_843] {strides = array<i32>} : memref<128x128xf32, #tpu.memory_space<vmem>>, vector<16xf32>,
        %get3A_845 = arith.index_cast %add3A_826 : i32 to index
        %get3A_846 = arith.constant 32 : index
        %get3A_847 = tpu.vector_load %arg11[%get3A_845, %get3A_846] {strides = array<i32>} : memref<128x128xf32, #tpu.memory_space<vmem>>, vector<16xf32>,
        %mul3A_848 = arith.mulf %get3A_844, %get3A_847 : vector<16xf32>
        %add3A_849 = arith.addf %add3A_841, %mul3A_848 : vector<16xf32>
        %get3A_850 = arith.index_cast %add3A_826 : i32 to index
        %get3A_851 = arith.constant 48 : index
        %get3A_852 = tpu.vector_load %arg10[%get3A_850, %get3A_851] {strides = array<i32>} : memref<128x128xf32, #tpu.memory_space<vmem>>, vector<16xf32>,
        %get3A_853 = arith.index_cast %add3A_826 : i32 to index
        %get3A_854 = arith.constant 48 : index
        %get3A_855 = tpu.vector_load %arg11[%get3A_853, %get3A_854] {strides = array<i32>} : memref<128x128xf32, #tpu.memory_space<vmem>>, vector<16xf32>,
        %mul3A_856 = arith.mulf %get3A_852, %get3A_855 : vector<16xf32>
        %add3A_857 = arith.addf %add3A_849, %mul3A_856 : vector<16xf32>
        %get3A_858 = arith.index_cast %add3A_826 : i32 to index
        %get3A_859 = arith.constant 64 : index
        %get3A_860 = tpu.vector_load %arg10[%get3A_858, %get3A_859] {strides = array<i32>} : memref<128x128xf32, #tpu.memory_space<vmem>>, vector<16xf32>,
        %get3A_861 = arith.index_cast %add3A_826 : i32 to index
        %get3A_862 = arith.constant 64 : index
        %get3A_863 = tpu.vector_load %arg11[%get3A_861, %get3A_862] {strides = array<i32>} : memref<128x128xf32, #tpu.memory_space<vmem>>, vector<16xf32>,
        %mul3A_864 = arith.mulf %get3A_860, %get3A_863 : vector<16xf32>
        %add3A_865 = arith.addf %add3A_857, %mul3A_864 : vector<16xf32>
        %get3A_866 = arith.index_cast %add3A_826 : i32 to index
        %get3A_867 = arith.constant 80 : index
        %get3A_868 = tpu.vector_load %arg10[%get3A_866, %get3A_867] {strides = array<i32>} : memref<128x128xf32, #tpu.memory_space<vmem>>, vector<16xf32>,
        %get3A_869 = arith.index_cast %add3A_826 : i32 to index
        %get3A_870 = arith.constant 80 : index
        %get3A_871 = tpu.vector_load %arg11[%get3A_869, %get3A_870] {strides = array<i32>} : memref<128x128xf32, #tpu.memory_space<vmem>>, vector<16xf32>,
        %mul3A_872 = arith.mulf %get3A_868, %get3A_871 : vector<16xf32>
        %add3A_873 = arith.addf %add3A_865, %mul3A_872 : vector<16xf32>
        %get3A_874 = arith.index_cast %add3A_826 : i32 to index
        %get3A_875 = arith.constant 96 : index
        %get3A_876 = tpu.vector_load %arg10[%get3A_874, %get3A_875] {strides = array<i32>} : memref<128x128xf32, #tpu.memory_space<vmem>>, vector<16xf32>,
        %get3A_877 = arith.index_cast %add3A_826 : i32 to index
        %get3A_878 = arith.constant 96 : index
        %get3A_879 = tpu.vector_load %arg11[%get3A_877, %get3A_878] {strides = array<i32>} : memref<128x128xf32, #tpu.memory_space<vmem>>, vector<16xf32>,
        %mul3A_880 = arith.mulf %get3A_876, %get3A_879 : vector<16xf32>
        %add3A_881 = arith.addf %add3A_873, %mul3A_880 : vector<16xf32>
        %get3A_882 = arith.index_cast %add3A_826 : i32 to index
        %get3A_883 = arith.constant 112 : index
        %get3A_884 = tpu.vector_load %arg10[%get3A_882, %get3A_883] {strides = array<i32>} : memref<128x128xf32, #tpu.memory_space<vmem>>, vector<16xf32>,
        %get3A_885 = arith.index_cast %add3A_826 : i32 to index
        %get3A_886 = arith.constant 112 : index
        %get3A_887 = tpu.vector_load %arg11[%get3A_885, %get3A_886] {strides = array<i32>} : memref<128x128xf32, #tpu.memory_space<vmem>>, vector<16xf32>,
        %mul3A_888 = arith.mulf %get3A_884, %get3A_887 : vector<16xf32>
        %add3A_889 = arith.addf %add3A_881, %mul3A_888 : vector<16xf32>
        %swap3A_890 = arith.constant 11 : i32
        %swap3A_891 = arith.index_cast %swap3A_890 : i32 to index
        %swap3A_892 = arith.constant 0 : index
        %swap3A_893 = tpu.vector_load %arg13[%swap3A_891, %swap3A_892] {strides = array<i32>} : memref<16x16xf32, #tpu.memory_space<vmem>>, vector<16xf32>,
        tpu.vector_store %arg13[%swap3A_891, %swap3A_892], %add3A_889 {strides = array<i32>} : memref<16x16xf32, #tpu.memory_space<vmem>>, vector<16xf32>,
        %mul3A_894 = arith.constant 16 : i32
        %mul3A_895 = arith.muli %scan3A_42, %mul3A_894 : i32
        %add3A_896 = arith.constant 12 : i32
        %add3A_897 = arith.addi %mul3A_895, %add3A_896 : i32
        %get3A_898 = arith.index_cast %add3A_897 : i32 to index
        %get3A_899 = arith.constant 0 : index
        %get3A_900 = tpu.vector_load %arg10[%get3A_898, %get3A_899] {strides = array<i32>} : memref<128x128xf32, #tpu.memory_space<vmem>>, vector<16xf32>,
        %get3A_901 = arith.index_cast %add3A_897 : i32 to index
        %get3A_902 = arith.constant 0 : index
        %get3A_903 = tpu.vector_load %arg11[%get3A_901, %get3A_902] {strides = array<i32>} : memref<128x128xf32, #tpu.memory_space<vmem>>, vector<16xf32>,
        %mul3A_904 = arith.mulf %get3A_900, %get3A_903 : vector<16xf32>
        %get3A_905 = arith.index_cast %add3A_897 : i32 to index
        %get3A_906 = arith.constant 16 : index
        %get3A_907 = tpu.vector_load %arg10[%get3A_905, %get3A_906] {strides = array<i32>} : memref<128x128xf32, #tpu.memory_space<vmem>>, vector<16xf32>,
        %get3A_908 = arith.index_cast %add3A_897 : i32 to index
        %get3A_909 = arith.constant 16 : index
        %get3A_910 = tpu.vector_load %arg11[%get3A_908, %get3A_909] {strides = array<i32>} : memref<128x128xf32, #tpu.memory_space<vmem>>, vector<16xf32>,
        %mul3A_911 = arith.mulf %get3A_907, %get3A_910 : vector<16xf32>
        %add3A_912 = arith.addf %mul3A_904, %mul3A_911 : vector<16xf32>
        %get3A_913 = arith.index_cast %add3A_897 : i32 to index
        %get3A_914 = arith.constant 32 : index
        %get3A_915 = tpu.vector_load %arg10[%get3A_913, %get3A_914] {strides = array<i32>} : memref<128x128xf32, #tpu.memory_space<vmem>>, vector<16xf32>,
        %get3A_916 = arith.index_cast %add3A_897 : i32 to index
        %get3A_917 = arith.constant 32 : index
        %get3A_918 = tpu.vector_load %arg11[%get3A_916, %get3A_917] {strides = array<i32>} : memref<128x128xf32, #tpu.memory_space<vmem>>, vector<16xf32>,
        %mul3A_919 = arith.mulf %get3A_915, %get3A_918 : vector<16xf32>
        %add3A_920 = arith.addf %add3A_912, %mul3A_919 : vector<16xf32>
        %get3A_921 = arith.index_cast %add3A_897 : i32 to index
        %get3A_922 = arith.constant 48 : index
        %get3A_923 = tpu.vector_load %arg10[%get3A_921, %get3A_922] {strides = array<i32>} : memref<128x128xf32, #tpu.memory_space<vmem>>, vector<16xf32>,
        %get3A_924 = arith.index_cast %add3A_897 : i32 to index
        %get3A_925 = arith.constant 48 : index
        %get3A_926 = tpu.vector_load %arg11[%get3A_924, %get3A_925] {strides = array<i32>} : memref<128x128xf32, #tpu.memory_space<vmem>>, vector<16xf32>,
        %mul3A_927 = arith.mulf %get3A_923, %get3A_926 : vector<16xf32>
        %add3A_928 = arith.addf %add3A_920, %mul3A_927 : vector<16xf32>
        %get3A_929 = arith.index_cast %add3A_897 : i32 to index
        %get3A_930 = arith.constant 64 : index
        %get3A_931 = tpu.vector_load %arg10[%get3A_929, %get3A_930] {strides = array<i32>} : memref<128x128xf32, #tpu.memory_space<vmem>>, vector<16xf32>,
        %get3A_932 = arith.index_cast %add3A_897 : i32 to index
        %get3A_933 = arith.constant 64 : index
        %get3A_934 = tpu.vector_load %arg11[%get3A_932, %get3A_933] {strides = array<i32>} : memref<128x128xf32, #tpu.memory_space<vmem>>, vector<16xf32>,
        %mul3A_935 = arith.mulf %get3A_931, %get3A_934 : vector<16xf32>
        %add3A_936 = arith.addf %add3A_928, %mul3A_935 : vector<16xf32>
        %get3A_937 = arith.index_cast %add3A_897 : i32 to index
        %get3A_938 = arith.constant 80 : index
        %get3A_939 = tpu.vector_load %arg10[%get3A_937, %get3A_938] {strides = array<i32>} : memref<128x128xf32, #tpu.memory_space<vmem>>, vector<16xf32>,
        %get3A_940 = arith.index_cast %add3A_897 : i32 to index
        %get3A_941 = arith.constant 80 : index
        %get3A_942 = tpu.vector_load %arg11[%get3A_940, %get3A_941] {strides = array<i32>} : memref<128x128xf32, #tpu.memory_space<vmem>>, vector<16xf32>,
        %mul3A_943 = arith.mulf %get3A_939, %get3A_942 : vector<16xf32>
        %add3A_944 = arith.addf %add3A_936, %mul3A_943 : vector<16xf32>
        %get3A_945 = arith.index_cast %add3A_897 : i32 to index
        %get3A_946 = arith.constant 96 : index
        %get3A_947 = tpu.vector_load %arg10[%get3A_945, %get3A_946] {strides = array<i32>} : memref<128x128xf32, #tpu.memory_space<vmem>>, vector<16xf32>,
        %get3A_948 = arith.index_cast %add3A_897 : i32 to index
        %get3A_949 = arith.constant 96 : index
        %get3A_950 = tpu.vector_load %arg11[%get3A_948, %get3A_949] {strides = array<i32>} : memref<128x128xf32, #tpu.memory_space<vmem>>, vector<16xf32>,
        %mul3A_951 = arith.mulf %get3A_947, %get3A_950 : vector<16xf32>
        %add3A_952 = arith.addf %add3A_944, %mul3A_951 : vector<16xf32>
        %get3A_953 = arith.index_cast %add3A_897 : i32 to index
        %get3A_954 = arith.constant 112 : index
        %get3A_955 = tpu.vector_load %arg10[%get3A_953, %get3A_954] {strides = array<i32>} : memref<128x128xf32, #tpu.memory_space<vmem>>, vector<16xf32>,
        %get3A_956 = arith.index_cast %add3A_897 : i32 to index
        %get3A_957 = arith.constant 112 : index
        %get3A_958 = tpu.vector_load %arg11[%get3A_956, %get3A_957] {strides = array<i32>} : memref<128x128xf32, #tpu.memory_space<vmem>>, vector<16xf32>,
        %mul3A_959 = arith.mulf %get3A_955, %get3A_958 : vector<16xf32>
        %add3A_960 = arith.addf %add3A_952, %mul3A_959 : vector<16xf32>
        %swap3A_961 = arith.constant 12 : i32
        %swap3A_962 = arith.index_cast %swap3A_961 : i32 to index
        %swap3A_963 = arith.constant 0 : index
        %swap3A_964 = tpu.vector_load %arg13[%swap3A_962, %swap3A_963] {strides = array<i32>} : memref<16x16xf32, #tpu.memory_space<vmem>>, vector<16xf32>,
        tpu.vector_store %arg13[%swap3A_962, %swap3A_963], %add3A_960 {strides = array<i32>} : memref<16x16xf32, #tpu.memory_space<vmem>>, vector<16xf32>,
        %mul3A_965 = arith.constant 16 : i32
        %mul3A_966 = arith.muli %scan3A_42, %mul3A_965 : i32
        %add3A_967 = arith.constant 13 : i32
        %add3A_968 = arith.addi %mul3A_966, %add3A_967 : i32
        %get3A_969 = arith.index_cast %add3A_968 : i32 to index
        %get3A_970 = arith.constant 0 : index
        %get3A_971 = tpu.vector_load %arg10[%get3A_969, %get3A_970] {strides = array<i32>} : memref<128x128xf32, #tpu.memory_space<vmem>>, vector<16xf32>,
        %get3A_972 = arith.index_cast %add3A_968 : i32 to index
        %get3A_973 = arith.constant 0 : index
        %get3A_974 = tpu.vector_load %arg11[%get3A_972, %get3A_973] {strides = array<i32>} : memref<128x128xf32, #tpu.memory_space<vmem>>, vector<16xf32>,
        %mul3A_975 = arith.mulf %get3A_971, %get3A_974 : vector<16xf32>
        %get3A_976 = arith.index_cast %add3A_968 : i32 to index
        %get3A_977 = arith.constant 16 : index
        %get3A_978 = tpu.vector_load %arg10[%get3A_976, %get3A_977] {strides = array<i32>} : memref<128x128xf32, #tpu.memory_space<vmem>>, vector<16xf32>,
        %get3A_979 = arith.index_cast %add3A_968 : i32 to index
        %get3A_980 = arith.constant 16 : index
        %get3A_981 = tpu.vector_load %arg11[%get3A_979, %get3A_980] {strides = array<i32>} : memref<128x128xf32, #tpu.memory_space<vmem>>, vector<16xf32>,
        %mul3A_982 = arith.mulf %get3A_978, %get3A_981 : vector<16xf32>
        %add3A_983 = arith.addf %mul3A_975, %mul3A_982 : vector<16xf32>
        %get3A_984 = arith.index_cast %add3A_968 : i32 to index
        %get3A_985 = arith.constant 32 : index
        %get3A_986 = tpu.vector_load %arg10[%get3A_984, %get3A_985] {strides = array<i32>} : memref<128x128xf32, #tpu.memory_space<vmem>>, vector<16xf32>,
        %get3A_987 = arith.index_cast %add3A_968 : i32 to index
        %get3A_988 = arith.constant 32 : index
        %get3A_989 = tpu.vector_load %arg11[%get3A_987, %get3A_988] {strides = array<i32>} : memref<128x128xf32, #tpu.memory_space<vmem>>, vector<16xf32>,
        %mul3A_990 = arith.mulf %get3A_986, %get3A_989 : vector<16xf32>
        %add3A_991 = arith.addf %add3A_983, %mul3A_990 : vector<16xf32>
        %get3A_992 = arith.index_cast %add3A_968 : i32 to index
        %get3A_993 = arith.constant 48 : index
        %get3A_994 = tpu.vector_load %arg10[%get3A_992, %get3A_993] {strides = array<i32>} : memref<128x128xf32, #tpu.memory_space<vmem>>, vector<16xf32>,
        %get3A_995 = arith.index_cast %add3A_968 : i32 to index
        %get3A_996 = arith.constant 48 : index
        %get3A_997 = tpu.vector_load %arg11[%get3A_995, %get3A_996] {strides = array<i32>} : memref<128x128xf32, #tpu.memory_space<vmem>>, vector<16xf32>,
        %mul3A_998 = arith.mulf %get3A_994, %get3A_997 : vector<16xf32>
        %add3A_999 = arith.addf %add3A_991, %mul3A_998 : vector<16xf32>
        %get3A_1000 = arith.index_cast %add3A_968 : i32 to index
        %get3A_1001 = arith.constant 64 : index
        %get3A_1002 = tpu.vector_load %arg10[%get3A_1000, %get3A_1001] {strides = array<i32>} : memref<128x128xf32, #tpu.memory_space<vmem>>, vector<16xf32>,
        %get3A_1003 = arith.index_cast %add3A_968 : i32 to index
        %get3A_1004 = arith.constant 64 : index
        %get3A_1005 = tpu.vector_load %arg11[%get3A_1003, %get3A_1004] {strides = array<i32>} : memref<128x128xf32, #tpu.memory_space<vmem>>, vector<16xf32>,
        %mul3A_1006 = arith.mulf %get3A_1002, %get3A_1005 : vector<16xf32>
        %add3A_1007 = arith.addf %add3A_999, %mul3A_1006 : vector<16xf32>
        %get3A_1008 = arith.index_cast %add3A_968 : i32 to index
        %get3A_1009 = arith.constant 80 : index
        %get3A_1010 = tpu.vector_load %arg10[%get3A_1008, %get3A_1009] {strides = array<i32>} : memref<128x128xf32, #tpu.memory_space<vmem>>, vector<16xf32>,
        %get3A_1011 = arith.index_cast %add3A_968 : i32 to index
        %get3A_1012 = arith.constant 80 : index
        %get3A_1013 = tpu.vector_load %arg11[%get3A_1011, %get3A_1012] {strides = array<i32>} : memref<128x128xf32, #tpu.memory_space<vmem>>, vector<16xf32>,
        %mul3A_1014 = arith.mulf %get3A_1010, %get3A_1013 : vector<16xf32>
        %add3A_1015 = arith.addf %add3A_1007, %mul3A_1014 : vector<16xf32>
        %get3A_1016 = arith.index_cast %add3A_968 : i32 to index
        %get3A_1017 = arith.constant 96 : index
        %get3A_1018 = tpu.vector_load %arg10[%get3A_1016, %get3A_1017] {strides = array<i32>} : memref<128x128xf32, #tpu.memory_space<vmem>>, vector<16xf32>,
        %get3A_1019 = arith.index_cast %add3A_968 : i32 to index
        %get3A_1020 = arith.constant 96 : index
        %get3A_1021 = tpu.vector_load %arg11[%get3A_1019, %get3A_1020] {strides = array<i32>} : memref<128x128xf32, #tpu.memory_space<vmem>>, vector<16xf32>,
        %mul3A_1022 = arith.mulf %get3A_1018, %get3A_1021 : vector<16xf32>
        %add3A_1023 = arith.addf %add3A_1015, %mul3A_1022 : vector<16xf32>
        %get3A_1024 = arith.index_cast %add3A_968 : i32 to index
        %get3A_1025 = arith.constant 112 : index
        %get3A_1026 = tpu.vector_load %arg10[%get3A_1024, %get3A_1025] {strides = array<i32>} : memref<128x128xf32, #tpu.memory_space<vmem>>, vector<16xf32>,
        %get3A_1027 = arith.index_cast %add3A_968 : i32 to index
        %get3A_1028 = arith.constant 112 : index
        %get3A_1029 = tpu.vector_load %arg11[%get3A_1027, %get3A_1028] {strides = array<i32>} : memref<128x128xf32, #tpu.memory_space<vmem>>, vector<16xf32>,
        %mul3A_1030 = arith.mulf %get3A_1026, %get3A_1029 : vector<16xf32>
        %add3A_1031 = arith.addf %add3A_1023, %mul3A_1030 : vector<16xf32>
        %swap3A_1032 = arith.constant 13 : i32
        %swap3A_1033 = arith.index_cast %swap3A_1032 : i32 to index
        %swap3A_1034 = arith.constant 0 : index
        %swap3A_1035 = tpu.vector_load %arg13[%swap3A_1033, %swap3A_1034] {strides = array<i32>} : memref<16x16xf32, #tpu.memory_space<vmem>>, vector<16xf32>,
        tpu.vector_store %arg13[%swap3A_1033, %swap3A_1034], %add3A_1031 {strides = array<i32>} : memref<16x16xf32, #tpu.memory_space<vmem>>, vector<16xf32>,
        %mul3A_1036 = arith.constant 16 : i32
        %mul3A_1037 = arith.muli %scan3A_42, %mul3A_1036 : i32
        %add3A_1038 = arith.constant 14 : i32
        %add3A_1039 = arith.addi %mul3A_1037, %add3A_1038 : i32
        %get3A_1040 = arith.index_cast %add3A_1039 : i32 to index
        %get3A_1041 = arith.constant 0 : index
        %get3A_1042 = tpu.vector_load %arg10[%get3A_1040, %get3A_1041] {strides = array<i32>} : memref<128x128xf32, #tpu.memory_space<vmem>>, vector<16xf32>,
        %get3A_1043 = arith.index_cast %add3A_1039 : i32 to index
        %get3A_1044 = arith.constant 0 : index
        %get3A_1045 = tpu.vector_load %arg11[%get3A_1043, %get3A_1044] {strides = array<i32>} : memref<128x128xf32, #tpu.memory_space<vmem>>, vector<16xf32>,
        %mul3A_1046 = arith.mulf %get3A_1042, %get3A_1045 : vector<16xf32>
        %get3A_1047 = arith.index_cast %add3A_1039 : i32 to index
        %get3A_1048 = arith.constant 16 : index
        %get3A_1049 = tpu.vector_load %arg10[%get3A_1047, %get3A_1048] {strides = array<i32>} : memref<128x128xf32, #tpu.memory_space<vmem>>, vector<16xf32>,
        %get3A_1050 = arith.index_cast %add3A_1039 : i32 to index
        %get3A_1051 = arith.constant 16 : index
        %get3A_1052 = tpu.vector_load %arg11[%get3A_1050, %get3A_1051] {strides = array<i32>} : memref<128x128xf32, #tpu.memory_space<vmem>>, vector<16xf32>,
        %mul3A_1053 = arith.mulf %get3A_1049, %get3A_1052 : vector<16xf32>
        %add3A_1054 = arith.addf %mul3A_1046, %mul3A_1053 : vector<16xf32>
        %get3A_1055 = arith.index_cast %add3A_1039 : i32 to index
        %get3A_1056 = arith.constant 32 : index
        %get3A_1057 = tpu.vector_load %arg10[%get3A_1055, %get3A_1056] {strides = array<i32>} : memref<128x128xf32, #tpu.memory_space<vmem>>, vector<16xf32>,
        %get3A_1058 = arith.index_cast %add3A_1039 : i32 to index
        %get3A_1059 = arith.constant 32 : index
        %get3A_1060 = tpu.vector_load %arg11[%get3A_1058, %get3A_1059] {strides = array<i32>} : memref<128x128xf32, #tpu.memory_space<vmem>>, vector<16xf32>,
        %mul3A_1061 = arith.mulf %get3A_1057, %get3A_1060 : vector<16xf32>
        %add3A_1062 = arith.addf %add3A_1054, %mul3A_1061 : vector<16xf32>
        %get3A_1063 = arith.index_cast %add3A_1039 : i32 to index
        %get3A_1064 = arith.constant 48 : index
        %get3A_1065 = tpu.vector_load %arg10[%get3A_1063, %get3A_1064] {strides = array<i32>} : memref<128x128xf32, #tpu.memory_space<vmem>>, vector<16xf32>,
        %get3A_1066 = arith.index_cast %add3A_1039 : i32 to index
        %get3A_1067 = arith.constant 48 : index
        %get3A_1068 = tpu.vector_load %arg11[%get3A_1066, %get3A_1067] {strides = array<i32>} : memref<128x128xf32, #tpu.memory_space<vmem>>, vector<16xf32>,
        %mul3A_1069 = arith.mulf %get3A_1065, %get3A_1068 : vector<16xf32>
        %add3A_1070 = arith.addf %add3A_1062, %mul3A_1069 : vector<16xf32>
        %get3A_1071 = arith.index_cast %add3A_1039 : i32 to index
        %get3A_1072 = arith.constant 64 : index
        %get3A_1073 = tpu.vector_load %arg10[%get3A_1071, %get3A_1072] {strides = array<i32>} : memref<128x128xf32, #tpu.memory_space<vmem>>, vector<16xf32>,
        %get3A_1074 = arith.index_cast %add3A_1039 : i32 to index
        %get3A_1075 = arith.constant 64 : index
        %get3A_1076 = tpu.vector_load %arg11[%get3A_1074, %get3A_1075] {strides = array<i32>} : memref<128x128xf32, #tpu.memory_space<vmem>>, vector<16xf32>,
        %mul3A_1077 = arith.mulf %get3A_1073, %get3A_1076 : vector<16xf32>
        %add3A_1078 = arith.addf %add3A_1070, %mul3A_1077 : vector<16xf32>
        %get3A_1079 = arith.index_cast %add3A_1039 : i32 to index
        %get3A_1080 = arith.constant 80 : index
        %get3A_1081 = tpu.vector_load %arg10[%get3A_1079, %get3A_1080] {strides = array<i32>} : memref<128x128xf32, #tpu.memory_space<vmem>>, vector<16xf32>,
        %get3A_1082 = arith.index_cast %add3A_1039 : i32 to index
        %get3A_1083 = arith.constant 80 : index
        %get3A_1084 = tpu.vector_load %arg11[%get3A_1082, %get3A_1083] {strides = array<i32>} : memref<128x128xf32, #tpu.memory_space<vmem>>, vector<16xf32>,
        %mul3A_1085 = arith.mulf %get3A_1081, %get3A_1084 : vector<16xf32>
        %add3A_1086 = arith.addf %add3A_1078, %mul3A_1085 : vector<16xf32>
        %get3A_1087 = arith.index_cast %add3A_1039 : i32 to index
        %get3A_1088 = arith.constant 96 : index
        %get3A_1089 = tpu.vector_load %arg10[%get3A_1087, %get3A_1088] {strides = array<i32>} : memref<128x128xf32, #tpu.memory_space<vmem>>, vector<16xf32>,
        %get3A_1090 = arith.index_cast %add3A_1039 : i32 to index
        %get3A_1091 = arith.constant 96 : index
        %get3A_1092 = tpu.vector_load %arg11[%get3A_1090, %get3A_1091] {strides = array<i32>} : memref<128x128xf32, #tpu.memory_space<vmem>>, vector<16xf32>,
        %mul3A_1093 = arith.mulf %get3A_1089, %get3A_1092 : vector<16xf32>
        %add3A_1094 = arith.addf %add3A_1086, %mul3A_1093 : vector<16xf32>
        %get3A_1095 = arith.index_cast %add3A_1039 : i32 to index
        %get3A_1096 = arith.constant 112 : index
        %get3A_1097 = tpu.vector_load %arg10[%get3A_1095, %get3A_1096] {strides = array<i32>} : memref<128x128xf32, #tpu.memory_space<vmem>>, vector<16xf32>,
        %get3A_1098 = arith.index_cast %add3A_1039 : i32 to index
        %get3A_1099 = arith.constant 112 : index
        %get3A_1100 = tpu.vector_load %arg11[%get3A_1098, %get3A_1099] {strides = array<i32>} : memref<128x128xf32, #tpu.memory_space<vmem>>, vector<16xf32>,
        %mul3A_1101 = arith.mulf %get3A_1097, %get3A_1100 : vector<16xf32>
        %add3A_1102 = arith.addf %add3A_1094, %mul3A_1101 : vector<16xf32>
        %swap3A_1103 = arith.constant 14 : i32
        %swap3A_1104 = arith.index_cast %swap3A_1103 : i32 to index
        %swap3A_1105 = arith.constant 0 : index
        %swap3A_1106 = tpu.vector_load %arg13[%swap3A_1104, %swap3A_1105] {strides = array<i32>} : memref<16x16xf32, #tpu.memory_space<vmem>>, vector<16xf32>,
        tpu.vector_store %arg13[%swap3A_1104, %swap3A_1105], %add3A_1102 {strides = array<i32>} : memref<16x16xf32, #tpu.memory_space<vmem>>, vector<16xf32>,
        %mul3A_1107 = arith.constant 16 : i32
        %mul3A_1108 = arith.muli %scan3A_42, %mul3A_1107 : i32
        %add3A_1109 = arith.constant 15 : i32
        %add3A_1110 = arith.addi %mul3A_1108, %add3A_1109 : i32
        %get3A_1111 = arith.index_cast %add3A_1110 : i32 to index
        %get3A_1112 = arith.constant 0 : index
        %get3A_1113 = tpu.vector_load %arg10[%get3A_1111, %get3A_1112] {strides = array<i32>} : memref<128x128xf32, #tpu.memory_space<vmem>>, vector<16xf32>,
        %get3A_1114 = arith.index_cast %add3A_1110 : i32 to index
        %get3A_1115 = arith.constant 0 : index
        %get3A_1116 = tpu.vector_load %arg11[%get3A_1114, %get3A_1115] {strides = array<i32>} : memref<128x128xf32, #tpu.memory_space<vmem>>, vector<16xf32>,
        %mul3A_1117 = arith.mulf %get3A_1113, %get3A_1116 : vector<16xf32>
        %get3A_1118 = arith.index_cast %add3A_1110 : i32 to index
        %get3A_1119 = arith.constant 16 : index
        %get3A_1120 = tpu.vector_load %arg10[%get3A_1118, %get3A_1119] {strides = array<i32>} : memref<128x128xf32, #tpu.memory_space<vmem>>, vector<16xf32>,
        %get3A_1121 = arith.index_cast %add3A_1110 : i32 to index
        %get3A_1122 = arith.constant 16 : index
        %get3A_1123 = tpu.vector_load %arg11[%get3A_1121, %get3A_1122] {strides = array<i32>} : memref<128x128xf32, #tpu.memory_space<vmem>>, vector<16xf32>,
        %mul3A_1124 = arith.mulf %get3A_1120, %get3A_1123 : vector<16xf32>
        %add3A_1125 = arith.addf %mul3A_1117, %mul3A_1124 : vector<16xf32>
        %get3A_1126 = arith.index_cast %add3A_1110 : i32 to index
        %get3A_1127 = arith.constant 32 : index
        %get3A_1128 = tpu.vector_load %arg10[%get3A_1126, %get3A_1127] {strides = array<i32>} : memref<128x128xf32, #tpu.memory_space<vmem>>, vector<16xf32>,
        %get3A_1129 = arith.index_cast %add3A_1110 : i32 to index
        %get3A_1130 = arith.constant 32 : index
        %get3A_1131 = tpu.vector_load %arg11[%get3A_1129, %get3A_1130] {strides = array<i32>} : memref<128x128xf32, #tpu.memory_space<vmem>>, vector<16xf32>,
        %mul3A_1132 = arith.mulf %get3A_1128, %get3A_1131 : vector<16xf32>
        %add3A_1133 = arith.addf %add3A_1125, %mul3A_1132 : vector<16xf32>
        %get3A_1134 = arith.index_cast %add3A_1110 : i32 to index
        %get3A_1135 = arith.constant 48 : index
        %get3A_1136 = tpu.vector_load %arg10[%get3A_1134, %get3A_1135] {strides = array<i32>} : memref<128x128xf32, #tpu.memory_space<vmem>>, vector<16xf32>,
        %get3A_1137 = arith.index_cast %add3A_1110 : i32 to index
        %get3A_1138 = arith.constant 48 : index
        %get3A_1139 = tpu.vector_load %arg11[%get3A_1137, %get3A_1138] {strides = array<i32>} : memref<128x128xf32, #tpu.memory_space<vmem>>, vector<16xf32>,
        %mul3A_1140 = arith.mulf %get3A_1136, %get3A_1139 : vector<16xf32>
        %add3A_1141 = arith.addf %add3A_1133, %mul3A_1140 : vector<16xf32>
        %get3A_1142 = arith.index_cast %add3A_1110 : i32 to index
        %get3A_1143 = arith.constant 64 : index
        %get3A_1144 = tpu.vector_load %arg10[%get3A_1142, %get3A_1143] {strides = array<i32>} : memref<128x128xf32, #tpu.memory_space<vmem>>, vector<16xf32>,
        %get3A_1145 = arith.index_cast %add3A_1110 : i32 to index
        %get3A_1146 = arith.constant 64 : index
        %get3A_1147 = tpu.vector_load %arg11[%get3A_1145, %get3A_1146] {strides = array<i32>} : memref<128x128xf32, #tpu.memory_space<vmem>>, vector<16xf32>,
        %mul3A_1148 = arith.mulf %get3A_1144, %get3A_1147 : vector<16xf32>
        %add3A_1149 = arith.addf %add3A_1141, %mul3A_1148 : vector<16xf32>
        %get3A_1150 = arith.index_cast %add3A_1110 : i32 to index
        %get3A_1151 = arith.constant 80 : index
        %get3A_1152 = tpu.vector_load %arg10[%get3A_1150, %get3A_1151] {strides = array<i32>} : memref<128x128xf32, #tpu.memory_space<vmem>>, vector<16xf32>,
        %get3A_1153 = arith.index_cast %add3A_1110 : i32 to index
        %get3A_1154 = arith.constant 80 : index
        %get3A_1155 = tpu.vector_load %arg11[%get3A_1153, %get3A_1154] {strides = array<i32>} : memref<128x128xf32, #tpu.memory_space<vmem>>, vector<16xf32>,
        %mul3A_1156 = arith.mulf %get3A_1152, %get3A_1155 : vector<16xf32>
        %add3A_1157 = arith.addf %add3A_1149, %mul3A_1156 : vector<16xf32>
        %get3A_1158 = arith.index_cast %add3A_1110 : i32 to index
        %get3A_1159 = arith.constant 96 : index
        %get3A_1160 = tpu.vector_load %arg10[%get3A_1158, %get3A_1159] {strides = array<i32>} : memref<128x128xf32, #tpu.memory_space<vmem>>, vector<16xf32>,
        %get3A_1161 = arith.index_cast %add3A_1110 : i32 to index
        %get3A_1162 = arith.constant 96 : index
        %get3A_1163 = tpu.vector_load %arg11[%get3A_1161, %get3A_1162] {strides = array<i32>} : memref<128x128xf32, #tpu.memory_space<vmem>>, vector<16xf32>,
        %mul3A_1164 = arith.mulf %get3A_1160, %get3A_1163 : vector<16xf32>
        %add3A_1165 = arith.addf %add3A_1157, %mul3A_1164 : vector<16xf32>
        %get3A_1166 = arith.index_cast %add3A_1110 : i32 to index
        %get3A_1167 = arith.constant 112 : index
        %get3A_1168 = tpu.vector_load %arg10[%get3A_1166, %get3A_1167] {strides = array<i32>} : memref<128x128xf32, #tpu.memory_space<vmem>>, vector<16xf32>,
        %get3A_1169 = arith.index_cast %add3A_1110 : i32 to index
        %get3A_1170 = arith.constant 112 : index
        %get3A_1171 = tpu.vector_load %arg11[%get3A_1169, %get3A_1170] {strides = array<i32>} : memref<128x128xf32, #tpu.memory_space<vmem>>, vector<16xf32>,
        %mul3A_1172 = arith.mulf %get3A_1168, %get3A_1171 : vector<16xf32>
        %add3A_1173 = arith.addf %add3A_1165, %mul3A_1172 : vector<16xf32>
        %swap3A_1174 = arith.constant 15 : i32
        %swap3A_1175 = arith.index_cast %swap3A_1174 : i32 to index
        %swap3A_1176 = arith.constant 0 : index
        %swap3A_1177 = tpu.vector_load %arg13[%swap3A_1175, %swap3A_1176] {strides = array<i32>} : memref<16x16xf32, #tpu.memory_space<vmem>>, vector<16xf32>,
        tpu.vector_store %arg13[%swap3A_1175, %swap3A_1176], %add3A_1173 {strides = array<i32>} : memref<16x16xf32, #tpu.memory_space<vmem>>, vector<16xf32>,
        %broadcast_in_dim3A_1178 = arith.constant 0 : i32
        %broadcast_in_dim3A_1179 = vector.broadcast %broadcast_in_dim3A_1178 : i32 to vector<16xi32>
        %gather3A = tpu.vector_load_idx %arg13[%iota3A, %broadcast_in_dim3A_1179] : memref<16x16xf32, #tpu.memory_space<vmem>>[vector<16xi32>, vector<16xi32>], vector<16xf32>,
        %broadcast_in_dim3A_1180 = arith.constant 1 : i32
        %broadcast_in_dim3A_1181 = vector.broadcast %broadcast_in_dim3A_1180 : i32 to vector<16xi32>
        %gather3A_1182 = tpu.vector_load_idx %arg13[%iota3A, %broadcast_in_dim3A_1181] : memref<16x16xf32, #tpu.memory_space<vmem>>[vector<16xi32>, vector<16xi32>], vector<16xf32>,
        %add3A_1183 = arith.addf %gather3A, %gather3A_1182 : vector<16xf32>
        %broadcast_in_dim3A_1184 = arith.constant 2 : i32
        %broadcast_in_dim3A_1185 = vector.broadcast %broadcast_in_dim3A_1184 : i32 to vector<16xi32>
        %gather3A_1186 = tpu.vector_load_idx %arg13[%iota3A, %broadcast_in_dim3A_1185] : memref<16x16xf32, #tpu.memory_space<vmem>>[vector<16xi32>, vector<16xi32>], vector<16xf32>,
        %add3A_1187 = arith.addf %add3A_1183, %gather3A_1186 : vector<16xf32>
        %broadcast_in_dim3A_1188 = arith.constant 3 : i32
        %broadcast_in_dim3A_1189 = vector.broadcast %broadcast_in_dim3A_1188 : i32 to vector<16xi32>
        %gather3A_1190 = tpu.vector_load_idx %arg13[%iota3A, %broadcast_in_dim3A_1189] : memref<16x16xf32, #tpu.memory_space<vmem>>[vector<16xi32>, vector<16xi32>], vector<16xf32>,
        %add3A_1191 = arith.addf %add3A_1187, %gather3A_1190 : vector<16xf32>
        %broadcast_in_dim3A_1192 = arith.constant 4 : i32
        %broadcast_in_dim3A_1193 = vector.broadcast %broadcast_in_dim3A_1192 : i32 to vector<16xi32>
        %gather3A_1194 = tpu.vector_load_idx %arg13[%iota3A, %broadcast_in_dim3A_1193] : memref<16x16xf32, #tpu.memory_space<vmem>>[vector<16xi32>, vector<16xi32>], vector<16xf32>,
        %add3A_1195 = arith.addf %add3A_1191, %gather3A_1194 : vector<16xf32>
        %broadcast_in_dim3A_1196 = arith.constant 5 : i32
        %broadcast_in_dim3A_1197 = vector.broadcast %broadcast_in_dim3A_1196 : i32 to vector<16xi32>
        %gather3A_1198 = tpu.vector_load_idx %arg13[%iota3A, %broadcast_in_dim3A_1197] : memref<16x16xf32, #tpu.memory_space<vmem>>[vector<16xi32>, vector<16xi32>], vector<16xf32>,
        %add3A_1199 = arith.addf %add3A_1195, %gather3A_1198 : vector<16xf32>
        %broadcast_in_dim3A_1200 = arith.constant 6 : i32
        %broadcast_in_dim3A_1201 = vector.broadcast %broadcast_in_dim3A_1200 : i32 to vector<16xi32>
        %gather3A_1202 = tpu.vector_load_idx %arg13[%iota3A, %broadcast_in_dim3A_1201] : memref<16x16xf32, #tpu.memory_space<vmem>>[vector<16xi32>, vector<16xi32>], vector<16xf32>,
        %add3A_1203 = arith.addf %add3A_1199, %gather3A_1202 : vector<16xf32>
        %broadcast_in_dim3A_1204 = arith.constant 7 : i32
        %broadcast_in_dim3A_1205 = vector.broadcast %broadcast_in_dim3A_1204 : i32 to vector<16xi32>
        %gather3A_1206 = tpu.vector_load_idx %arg13[%iota3A, %broadcast_in_dim3A_1205] : memref<16x16xf32, #tpu.memory_space<vmem>>[vector<16xi32>, vector<16xi32>], vector<16xf32>,
        %add3A_1207 = arith.addf %add3A_1203, %gather3A_1206 : vector<16xf32>
        %broadcast_in_dim3A_1208 = arith.constant 8 : i32
        %broadcast_in_dim3A_1209 = vector.broadcast %broadcast_in_dim3A_1208 : i32 to vector<16xi32>
        %gather3A_1210 = tpu.vector_load_idx %arg13[%iota3A, %broadcast_in_dim3A_1209] : memref<16x16xf32, #tpu.memory_space<vmem>>[vector<16xi32>, vector<16xi32>], vector<16xf32>,
        %add3A_1211 = arith.addf %add3A_1207, %gather3A_1210 : vector<16xf32>
        %broadcast_in_dim3A_1212 = arith.constant 9 : i32
        %broadcast_in_dim3A_1213 = vector.broadcast %broadcast_in_dim3A_1212 : i32 to vector<16xi32>
        %gather3A_1214 = tpu.vector_load_idx %arg13[%iota3A, %broadcast_in_dim3A_1213] : memref<16x16xf32, #tpu.memory_space<vmem>>[vector<16xi32>, vector<16xi32>], vector<16xf32>,
        %add3A_1215 = arith.addf %add3A_1211, %gather3A_1214 : vector<16xf32>
        %broadcast_in_dim3A_1216 = arith.constant 10 : i32
        %broadcast_in_dim3A_1217 = vector.broadcast %broadcast_in_dim3A_1216 : i32 to vector<16xi32>
        %gather3A_1218 = tpu.vector_load_idx %arg13[%iota3A, %broadcast_in_dim3A_1217] : memref<16x16xf32, #tpu.memory_space<vmem>>[vector<16xi32>, vector<16xi32>], vector<16xf32>,
        %add3A_1219 = arith.addf %add3A_1215, %gather3A_1218 : vector<16xf32>
        %broadcast_in_dim3A_1220 = arith.constant 11 : i32
        %broadcast_in_dim3A_1221 = vector.broadcast %broadcast_in_dim3A_1220 : i32 to vector<16xi32>
        %gather3A_1222 = tpu.vector_load_idx %arg13[%iota3A, %broadcast_in_dim3A_1221] : memref<16x16xf32, #tpu.memory_space<vmem>>[vector<16xi32>, vector<16xi32>], vector<16xf32>,
        %add3A_1223 = arith.addf %add3A_1219, %gather3A_1222 : vector<16xf32>
        %broadcast_in_dim3A_1224 = arith.constant 12 : i32
        %broadcast_in_dim3A_1225 = vector.broadcast %broadcast_in_dim3A_1224 : i32 to vector<16xi32>
        %gather3A_1226 = tpu.vector_load_idx %arg13[%iota3A, %broadcast_in_dim3A_1225] : memref<16x16xf32, #tpu.memory_space<vmem>>[vector<16xi32>, vector<16xi32>], vector<16xf32>,
        %add3A_1227 = arith.addf %add3A_1223, %gather3A_1226 : vector<16xf32>
        %broadcast_in_dim3A_1228 = arith.constant 13 : i32
        %broadcast_in_dim3A_1229 = vector.broadcast %broadcast_in_dim3A_1228 : i32 to vector<16xi32>
        %gather3A_1230 = tpu.vector_load_idx %arg13[%iota3A, %broadcast_in_dim3A_1229] : memref<16x16xf32, #tpu.memory_space<vmem>>[vector<16xi32>, vector<16xi32>], vector<16xf32>,
        %add3A_1231 = arith.addf %add3A_1227, %gather3A_1230 : vector<16xf32>
        %broadcast_in_dim3A_1232 = arith.constant 14 : i32
        %broadcast_in_dim3A_1233 = vector.broadcast %broadcast_in_dim3A_1232 : i32 to vector<16xi32>
        %gather3A_1234 = tpu.vector_load_idx %arg13[%iota3A, %broadcast_in_dim3A_1233] : memref<16x16xf32, #tpu.memory_space<vmem>>[vector<16xi32>, vector<16xi32>], vector<16xf32>,
        %add3A_1235 = arith.addf %add3A_1231, %gather3A_1234 : vector<16xf32>
        %broadcast_in_dim3A_1236 = arith.constant 15 : i32
        %broadcast_in_dim3A_1237 = vector.broadcast %broadcast_in_dim3A_1236 : i32 to vector<16xi32>
        %gather3A_1238 = tpu.vector_load_idx %arg13[%iota3A, %broadcast_in_dim3A_1237] : memref<16x16xf32, #tpu.memory_space<vmem>>[vector<16xi32>, vector<16xi32>], vector<16xf32>,
        %add3A_1239 = arith.addf %add3A_1235, %gather3A_1238 : vector<16xf32>
        %mul3A_1240 = arith.constant 8 : i32
        %mul3A_1241 = arith.muli %scan3A_14, %mul3A_1240 : i32
        %add3A_1242 = arith.addi %mul3A_1241, %scan3A_42 : i32
        %get3A_1243 = arith.index_cast %add3A_1242 : i32 to index
        %get3A_1244 = arith.constant 0 : index
        %get3A_1245 = tpu.vector_load %arg12[%get3A_1243, %get3A_1244] {strides = array<i32>} : memref<32x16xf32, #tpu.memory_space<vmem>>, vector<16xf32>,
        %mul3A_1246 = arith.mulf %add3A_1239, %get3A_1245 : vector<16xf32>
        %abs3A = math.absf %mul3A_1246 : vector<16xf32>
        %neg3A = arith.constant 0.000000e+00 : f32
        %neg3A_1247 = vector.broadcast %neg3A : f32 to vector<16xf32>
        %neg3A_1248 = arith.subf %neg3A_1247, %abs3A : vector<16xf32>
        %exp3A = math.exp %neg3A_1248 : vector<16xf32>
        %min3A = arith.constant 0.000000e+00 : f32
        %min3A_1249 = vector.broadcast %min3A : f32 to vector<16xf32>
        %min3A_1250 = arith.minimumf %mul3A_1246, %min3A_1249 : vector<16xf32>
        %broadcast_in_dim3A_1251 = arith.constant -0.0022880605 : f32
        %broadcast_in_dim3A_1252 = vector.broadcast %broadcast_in_dim3A_1251 : f32 to vector<16xf32>
        %mul3A_1253 = arith.mulf %broadcast_in_dim3A_1252, %exp3A : vector<16xf32>
        %add3A_1254 = arith.constant 0.0151453717 : f32
        %add3A_1255 = vector.broadcast %add3A_1254 : f32 to vector<16xf32>
        %add3A_1256 = arith.addf %mul3A_1253, %add3A_1255 : vector<16xf32>
        %mul3A_1257 = arith.mulf %add3A_1256, %exp3A : vector<16xf32>
        %add3A_1258 = arith.constant -0.0471334644 : f32
        %add3A_1259 = vector.broadcast %add3A_1258 : f32 to vector<16xf32>
        %add3A_1260 = arith.addf %mul3A_1257, %add3A_1259 : vector<16xf32>
        %mul3A_1261 = arith.mulf %add3A_1260, %exp3A : vector<16xf32>
        %add3A_1262 = arith.constant 0.0947037935 : f32
        %add3A_1263 = vector.broadcast %add3A_1262 : f32 to vector<16xf32>
        %add3A_1264 = arith.addf %mul3A_1261, %add3A_1263 : vector<16xf32>
        %mul3A_1265 = arith.mulf %add3A_1264, %exp3A : vector<16xf32>
        %add3A_1266 = arith.constant -0.145176455 : f32
        %add3A_1267 = vector.broadcast %add3A_1266 : f32 to vector<16xf32>
        %add3A_1268 = arith.addf %mul3A_1265, %add3A_1267 : vector<16xf32>
        %mul3A_1269 = arith.mulf %add3A_1268, %exp3A : vector<16xf32>
        %add3A_1270 = arith.constant 0.193376377 : f32
        %add3A_1271 = vector.broadcast %add3A_1270 : f32 to vector<16xf32>
        %add3A_1272 = arith.addf %mul3A_1269, %add3A_1271 : vector<16xf32>
        %mul3A_1273 = arith.mulf %add3A_1272, %exp3A : vector<16xf32>
        %add3A_1274 = arith.constant -0.24865821 : f32
        %add3A_1275 = vector.broadcast %add3A_1274 : f32 to vector<16xf32>
        %add3A_1276 = arith.addf %mul3A_1273, %add3A_1275 : vector<16xf32>
        %mul3A_1277 = arith.mulf %add3A_1276, %exp3A : vector<16xf32>
        %add3A_1278 = arith.constant 0.333166927 : f32
        %add3A_1279 = vector.broadcast %add3A_1278 : f32 to vector<16xf32>
        %add3A_1280 = arith.addf %mul3A_1277, %add3A_1279 : vector<16xf32>
        %mul3A_1281 = arith.mulf %add3A_1280, %exp3A : vector<16xf32>
        %add3A_1282 = arith.constant -0.499988765 : f32
        %add3A_1283 = vector.broadcast %add3A_1282 : f32 to vector<16xf32>
        %add3A_1284 = arith.addf %mul3A_1281, %add3A_1283 : vector<16xf32>
        %mul3A_1285 = arith.mulf %add3A_1284, %exp3A : vector<16xf32>
        %add3A_1286 = arith.constant 0.999999642 : f32
        %add3A_1287 = vector.broadcast %add3A_1286 : f32 to vector<16xf32>
        %add3A_1288 = arith.addf %mul3A_1285, %add3A_1287 : vector<16xf32>
        %mul3A_1289 = arith.mulf %add3A_1288, %exp3A : vector<16xf32>
        %add3A_1290 = arith.constant 2.41390352E-9 : f32
        %add3A_1291 = vector.broadcast %add3A_1290 : f32 to vector<16xf32>
        %add3A_1292 = arith.addf %mul3A_1289, %add3A_1291 : vector<16xf32>
        %sub3A = arith.subf %min3A_1250, %add3A_1292 : vector<16xf32>
        %get3A_1293 = arith.constant 0 : index
        %get3A_1294 = tpu.vector_load %arg14[%get3A_1293] {strides = array<i32>} : memref<16xf32, #tpu.memory_space<vmem>>, vector<16xf32>,
        %add3A_1295 = arith.addf %get3A_1294, %sub3A : vector<16xf32>
        %swap3A_1296 = arith.constant 0 : index
        %swap3A_1297 = tpu.vector_load %arg14[%swap3A_1296] {strides = array<i32>} : memref<16xf32, #tpu.memory_space<vmem>>, vector<16xf32>,
        tpu.vector_store %arg14[%swap3A_1296], %add3A_1295 {strides = array<i32>} : memref<16xf32, #tpu.memory_space<vmem>>, vector<16xf32>,
      }
      %scan3A_41 = arith.constant 8 : i32
    }
    %scan3A_11 = arith.constant 4 : i32
    "tpu.region"() ({
      %run_scoped3A = tpu.sem_alloc : memref<!tpu.dma_semaphore, #tpu.memory_space<semaphore_mem>>
      %dma_start3A = arith.constant 0 : i32
      %dma_start3A_14 = tpu.memref_slice %arg16[%arg1, %dma_start3A] : memref<16x16xf32, #tpu.memory_space<vmem_shared>> -> memref<1x16xf32, #tpu.memory_space<vmem_shared>>
      %dma_start3A_15 = tpu.memref_squeeze %dma_start3A_14 : memref<1x16xf32, #tpu.memory_space<vmem_shared>> -> memref<16xf32, #tpu.memory_space<vmem_shared>>
      %dma_start3A_16 = arith.constant 0 : i32
      %dma_start3A_17 = tpu.memref_slice %arg16[%arg1, %dma_start3A_16] : memref<16x16xf32, #tpu.memory_space<vmem_shared>> -> memref<1x16xf32, #tpu.memory_space<vmem_shared>>
      %dma_start3A_18 = tpu.memref_squeeze %dma_start3A_17 : memref<1x16xf32, #tpu.memory_space<vmem_shared>> -> memref<16xf32, #tpu.memory_space<vmem_shared>>
      tpu.enqueue_dma source(%arg14 : memref<16xf32, #tpu.memory_space<vmem>>) target(%dma_start3A_18 : memref<16xf32, #tpu.memory_space<vmem_shared>>) target_semaphore(%run_scoped3A : memref<!tpu.dma_semaphore, #tpu.memory_space<semaphore_mem>>)
      %dma_wait3A = arith.constant 0 : i32
      %dma_wait3A_19 = tpu.memref_slice %arg16[%arg1, %dma_wait3A] : memref<16x16xf32, #tpu.memory_space<vmem_shared>> -> memref<1x16xf32, #tpu.memory_space<vmem_shared>>
      %dma_wait3A_20 = tpu.memref_squeeze %dma_wait3A_19 : memref<1x16xf32, #tpu.memory_space<vmem_shared>> -> memref<16xf32, #tpu.memory_space<vmem_shared>>
      %dma_wait3A_21 = arith.constant 0 : i32
      %dma_wait3A_22 = tpu.memref_slice %arg16[%arg1, %dma_wait3A_21] : memref<16x16xf32, #tpu.memory_space<vmem_shared>> -> memref<1x16xf32, #tpu.memory_space<vmem_shared>>
      %dma_wait3A_23 = tpu.memref_squeeze %dma_wait3A_22 : memref<1x16xf32, #tpu.memory_space<vmem_shared>> -> memref<16xf32, #tpu.memory_space<vmem_shared>>
      tpu.wait_dma2 semaphore(%run_scoped3A : memref<!tpu.dma_semaphore, #tpu.memory_space<semaphore_mem>>) src(%arg14 : memref<16xf32, #tpu.memory_space<vmem>>) dst(%dma_wait3A_23 : memref<16xf32, #tpu.memory_space<vmem_shared>>)
      tpu.yield
    }) : () -> ()
    %barrier3A = arith.constant 0 : index
    tpu.barrier barrier_id(%barrier3A)
    %eq3A = arith.constant 0 : i32
    %eq3A_12 = arith.cmpi eq, %arg1, %eq3A : i32
    %convert_element_type3A = arith.extui %eq3A_12 : i1 to i32
    %cond3A = arith.constant 0 : i32
    %cond3A_13 = arith.cmpi ne, %convert_element_type3A, %cond3A : i32
    scf.if %cond3A_13 {
      "tpu.region"() ({
        %run_scoped3A = tpu.sem_alloc : memref<!tpu.dma_semaphore, #tpu.memory_space<semaphore_mem>>
        tpu.enqueue_dma source(%arg16 : memref<16x16xf32, #tpu.memory_space<vmem_shared>>) target(%arg13 : memref<16x16xf32, #tpu.memory_space<vmem>>) target_semaphore(%run_scoped3A : memref<!tpu.dma_semaphore, #tpu.memory_space<semaphore_mem>>)
        tpu.wait_dma2 semaphore(%run_scoped3A : memref<!tpu.dma_semaphore, #tpu.memory_space<semaphore_mem>>) src(%arg16 : memref<16x16xf32, #tpu.memory_space<vmem_shared>>) dst(%arg13 : memref<16x16xf32, #tpu.memory_space<vmem>>)
        tpu.yield
      }) : () -> ()
      %get3A = arith.constant 0 : i32
      %get3A_14 = arith.index_cast %get3A : i32 to index
      %get3A_15 = arith.constant 0 : index
      %get3A_16 = tpu.vector_load %arg13[%get3A_14, %get3A_15] {strides = array<i32>} : memref<16x16xf32, #tpu.memory_space<vmem>>, vector<16xf32>,
      %get3A_17 = arith.constant 1 : i32
      %get3A_18 = arith.index_cast %get3A_17 : i32 to index
      %get3A_19 = arith.constant 0 : index
      %get3A_20 = tpu.vector_load %arg13[%get3A_18, %get3A_19] {strides = array<i32>} : memref<16x16xf32, #tpu.memory_space<vmem>>, vector<16xf32>,
      %add3A_21 = arith.addf %get3A_16, %get3A_20 : vector<16xf32>
      %get3A_22 = arith.constant 2 : i32
      %get3A_23 = arith.index_cast %get3A_22 : i32 to index
      %get3A_24 = arith.constant 0 : index
      %get3A_25 = tpu.vector_load %arg13[%get3A_23, %get3A_24] {strides = array<i32>} : memref<16x16xf32, #tpu.memory_space<vmem>>, vector<16xf32>,
      %add3A_26 = arith.addf %add3A_21, %get3A_25 : vector<16xf32>
      %get3A_27 = arith.constant 3 : i32
      %get3A_28 = arith.index_cast %get3A_27 : i32 to index
      %get3A_29 = arith.constant 0 : index
      %get3A_30 = tpu.vector_load %arg13[%get3A_28, %get3A_29] {strides = array<i32>} : memref<16x16xf32, #tpu.memory_space<vmem>>, vector<16xf32>,
      %add3A_31 = arith.addf %add3A_26, %get3A_30 : vector<16xf32>
      %get3A_32 = arith.constant 4 : i32
      %get3A_33 = arith.index_cast %get3A_32 : i32 to index
      %get3A_34 = arith.constant 0 : index
      %get3A_35 = tpu.vector_load %arg13[%get3A_33, %get3A_34] {strides = array<i32>} : memref<16x16xf32, #tpu.memory_space<vmem>>, vector<16xf32>,
      %add3A_36 = arith.addf %add3A_31, %get3A_35 : vector<16xf32>
      %get3A_37 = arith.constant 5 : i32
      %get3A_38 = arith.index_cast %get3A_37 : i32 to index
      %get3A_39 = arith.constant 0 : index
      %get3A_40 = tpu.vector_load %arg13[%get3A_38, %get3A_39] {strides = array<i32>} : memref<16x16xf32, #tpu.memory_space<vmem>>, vector<16xf32>,
      %add3A_41 = arith.addf %add3A_36, %get3A_40 : vector<16xf32>
      %get3A_42 = arith.constant 6 : i32
      %get3A_43 = arith.index_cast %get3A_42 : i32 to index
      %get3A_44 = arith.constant 0 : index
      %get3A_45 = tpu.vector_load %arg13[%get3A_43, %get3A_44] {strides = array<i32>} : memref<16x16xf32, #tpu.memory_space<vmem>>, vector<16xf32>,
      %add3A_46 = arith.addf %add3A_41, %get3A_45 : vector<16xf32>
      %get3A_47 = arith.constant 7 : i32
      %get3A_48 = arith.index_cast %get3A_47 : i32 to index
      %get3A_49 = arith.constant 0 : index
      %get3A_50 = tpu.vector_load %arg13[%get3A_48, %get3A_49] {strides = array<i32>} : memref<16x16xf32, #tpu.memory_space<vmem>>, vector<16xf32>,
      %add3A_51 = arith.addf %add3A_46, %get3A_50 : vector<16xf32>
      %get3A_52 = arith.constant 8 : i32
      %get3A_53 = arith.index_cast %get3A_52 : i32 to index
      %get3A_54 = arith.constant 0 : index
      %get3A_55 = tpu.vector_load %arg13[%get3A_53, %get3A_54] {strides = array<i32>} : memref<16x16xf32, #tpu.memory_space<vmem>>, vector<16xf32>,
      %add3A_56 = arith.addf %add3A_51, %get3A_55 : vector<16xf32>
      %get3A_57 = arith.constant 9 : i32
      %get3A_58 = arith.index_cast %get3A_57 : i32 to index
      %get3A_59 = arith.constant 0 : index
      %get3A_60 = tpu.vector_load %arg13[%get3A_58, %get3A_59] {strides = array<i32>} : memref<16x16xf32, #tpu.memory_space<vmem>>, vector<16xf32>,
      %add3A_61 = arith.addf %add3A_56, %get3A_60 : vector<16xf32>
      %get3A_62 = arith.constant 10 : i32
      %get3A_63 = arith.index_cast %get3A_62 : i32 to index
      %get3A_64 = arith.constant 0 : index
      %get3A_65 = tpu.vector_load %arg13[%get3A_63, %get3A_64] {strides = array<i32>} : memref<16x16xf32, #tpu.memory_space<vmem>>, vector<16xf32>,
      %add3A_66 = arith.addf %add3A_61, %get3A_65 : vector<16xf32>
      %get3A_67 = arith.constant 11 : i32
      %get3A_68 = arith.index_cast %get3A_67 : i32 to index
      %get3A_69 = arith.constant 0 : index
      %get3A_70 = tpu.vector_load %arg13[%get3A_68, %get3A_69] {strides = array<i32>} : memref<16x16xf32, #tpu.memory_space<vmem>>, vector<16xf32>,
      %add3A_71 = arith.addf %add3A_66, %get3A_70 : vector<16xf32>
      %get3A_72 = arith.constant 12 : i32
      %get3A_73 = arith.index_cast %get3A_72 : i32 to index
      %get3A_74 = arith.constant 0 : index
      %get3A_75 = tpu.vector_load %arg13[%get3A_73, %get3A_74] {strides = array<i32>} : memref<16x16xf32, #tpu.memory_space<vmem>>, vector<16xf32>,
      %add3A_76 = arith.addf %add3A_71, %get3A_75 : vector<16xf32>
      %get3A_77 = arith.constant 13 : i32
      %get3A_78 = arith.index_cast %get3A_77 : i32 to index
      %get3A_79 = arith.constant 0 : index
      %get3A_80 = tpu.vector_load %arg13[%get3A_78, %get3A_79] {strides = array<i32>} : memref<16x16xf32, #tpu.memory_space<vmem>>, vector<16xf32>,
      %add3A_81 = arith.addf %add3A_76, %get3A_80 : vector<16xf32>
      %get3A_82 = arith.constant 14 : i32
      %get3A_83 = arith.index_cast %get3A_82 : i32 to index
      %get3A_84 = arith.constant 0 : index
      %get3A_85 = tpu.vector_load %arg13[%get3A_83, %get3A_84] {strides = array<i32>} : memref<16x16xf32, #tpu.memory_space<vmem>>, vector<16xf32>,
      %add3A_86 = arith.addf %add3A_81, %get3A_85 : vector<16xf32>
      %get3A_87 = arith.constant 15 : i32
      %get3A_88 = arith.index_cast %get3A_87 : i32 to index
      %get3A_89 = arith.constant 0 : index
      %get3A_90 = tpu.vector_load %arg13[%get3A_88, %get3A_89] {strides = array<i32>} : memref<16x16xf32, #tpu.memory_space<vmem>>, vector<16xf32>,
      %add3A_91 = arith.addf %add3A_86, %get3A_90 : vector<16xf32>
      %reduce_sum3A = arith.constant true
      %reduce_sum3A_92 = vector.broadcast %reduce_sum3A : i1 to vector<16xi1>
      %reduce_sum3A_93 = tpu.scan <sum>, %add3A_91 masked %reduce_sum3A_92 : vector<16xf32>, vector<16xi1> -> vector<16xf32>
      %reduce_sum3A_94 = vector.extract %reduce_sum3A_93[15] : f32 from vector<16xf32>
      %mul3A_95 = arith.constant -6.10351563E-5 : f32
      %mul3A_96 = arith.mulf %reduce_sum3A_94, %mul3A_95 : f32
      %broadcast_in_dim3A_97 = vector.broadcast %mul3A_96 : f32 to vector<16xf32>
      %swap3A_98 = arith.constant 0 : index
      %swap3A_99 = tpu.vector_load %arg15[%swap3A_98] {strides = array<i32>} : memref<16xf32, #tpu.memory_space<vmem>>, vector<16xf32>,
      tpu.vector_store %arg15[%swap3A_98], %broadcast_in_dim3A_97 {strides = array<i32>} : memref<16xf32, #tpu.memory_space<vmem>>, vector<16xf32>,
      "tpu.region"() ({
        %run_scoped3A = tpu.sem_alloc : memref<!tpu.dma_semaphore, #tpu.memory_space<semaphore_mem>>
        %dma_start3A = arith.constant 0 : i32
        %dma_start3A_100 = tpu.memref_slice %arg7[%arg0, %dma_start3A] : memref<2x16xf32, #tpu.memory_space<hbm>> -> memref<1x16xf32, #tpu.memory_space<hbm>>
        %dma_start3A_101 = tpu.memref_squeeze %dma_start3A_100 : memref<1x16xf32, #tpu.memory_space<hbm>> -> memref<16xf32, #tpu.memory_space<hbm>>
        %dma_start3A_102 = arith.constant 0 : i32
        %dma_start3A_103 = tpu.memref_slice %arg7[%arg0, %dma_start3A_102] : memref<2x16xf32, #tpu.memory_space<hbm>> -> memref<1x16xf32, #tpu.memory_space<hbm>>
        %dma_start3A_104 = tpu.memref_squeeze %dma_start3A_103 : memref<1x16xf32, #tpu.memory_space<hbm>> -> memref<16xf32, #tpu.memory_space<hbm>>
        tpu.enqueue_dma source(%arg15 : memref<16xf32, #tpu.memory_space<vmem>>) target(%dma_start3A_104 : memref<16xf32, #tpu.memory_space<hbm>>) target_semaphore(%run_scoped3A : memref<!tpu.dma_semaphore, #tpu.memory_space<semaphore_mem>>)
        %dma_wait3A = arith.constant 0 : i32
        %dma_wait3A_105 = tpu.memref_slice %arg7[%arg0, %dma_wait3A] : memref<2x16xf32, #tpu.memory_space<hbm>> -> memref<1x16xf32, #tpu.memory_space<hbm>>
        %dma_wait3A_106 = tpu.memref_squeeze %dma_wait3A_105 : memref<1x16xf32, #tpu.memory_space<hbm>> -> memref<16xf32, #tpu.memory_space<hbm>>
        %dma_wait3A_107 = arith.constant 0 : i32
        %dma_wait3A_108 = tpu.memref_slice %arg7[%arg0, %dma_wait3A_107] : memref<2x16xf32, #tpu.memory_space<hbm>> -> memref<1x16xf32, #tpu.memory_space<hbm>>
        %dma_wait3A_109 = tpu.memref_squeeze %dma_wait3A_108 : memref<1x16xf32, #tpu.memory_space<hbm>> -> memref<16xf32, #tpu.memory_space<hbm>>
        tpu.wait_dma2 semaphore(%run_scoped3A : memref<!tpu.dma_semaphore, #tpu.memory_space<semaphore_mem>>) src(%arg15 : memref<16xf32, #tpu.memory_space<vmem>>) dst(%dma_wait3A_109 : memref<16xf32, #tpu.memory_space<hbm>>)
        tpu.yield
      }) : () -> ()
    } else {
    }
    return
  }
}

</mosaic_0001>

<sc_bundles>
// kernel: kernel.3.cloned.1.call-start
scs
__scs_entry_jumppad:
0x0: {  	(pc) =	sbr.rel $0x88, $3  }
0x1: {  	(tag) =	ssettag $0x0;
	lr =	simm.s32 $0x1  }
0x2: {  	[smem:$0x3F9C] =	sst lr;
	_ =	strace $0xD0000000  }
0x3: {  	_ = 	snop  }
0x4: {  	_ = 	snop  }
0x5: {  	_ = 	snop  }
0x6: {  	_ = 	snop  }
0x7: {  	_ = 	snop  }
__scs_overlays_trampoline_lowered:
0x8: {  	[smem:$0x3FAB] =	sst s0  }
0x9: {  	[smem:$0x3FAC] =	sst s1  }
0xa: {  	[smem:$0x3FAD] =	sst s2  }
0xb: {  	[smem:$0x3FAE] =	sst s3  }
0xc: {  	[smem:$0x3FAF] =	sst s4  }
0xd: {  	[smem:$0x3FB0] =	sst s5  }
0xe: {  	[smem:$0x3FB1] =	sst s6  }
0xf: {  	[smem:$0x3FB2] =	sst s7  }
0x10: {  	[smem:$0x3FB3] =	sst s8  }
0x11: {  	[smem:$0x3FB4] =	sst s9;
	s0 =	simm.s32 @!p0 $0x0  }
0x12: {  	s1 =	sld [smem:$0x3F9A];
	s0 =	simm.s32 @p0 $0x1  }
0x13: {  	[smem:$0x3FB5] =	sst s0;
	s0 =	simm.s32 @!p1 $0x0  }
0x14: {  	s2 =	sld [smem:$0x3F99];
	s0 =	simm.s32 @p1 $0x1  }
0x15: {  	[smem:$0x3FB6] =	sst s0;
	s0 =	simm.s32 @!p2 $0x0  }
0x16: {  	s3 =	sld [smem:$0x3FDB];
	s0 =	simm.s32 @p2 $0x1  }
0x17: {  	s4 =	simm.s32 $0x1BF5;
	[smem:$0x3FB8] =	sst s0  }
0x18: {  	s0 =	sld [smem:$0x3F9B];
	_ =	swait.ge [sflag:s4], $0x0  }
0x19: {  	s7 =	sld [smem:$0x3F9C]  }
0x1a: {  	s8 =	sadd.s32 $0xFFFFE003, lr  }
0x1b: {  	s9 =	sadd.s32 $0xFFFFFEF7, lr;
	s5 =	simm.s32 $0xFFFFFFFF;
	p2 =	slt.u32 s8, $0xFFFFF086  }
0x1c: {  	p1 =	slt.u32 s9, $0xF7A;
	s5 =	simm.s32 @!p2 $0x0  }
0x1d: {  	s5 =	simm.s32 @p1 $0x1;
	p0 =	seq.s32 s7, s2  }
0x1e: {  	s7 =	smul.u32 @!p0 $0xF7A, s2;
	p2 =	seq.s32 @!p0 s5, $0x0  }
0x1f: {  	s9 =	smul.u32 $0xF7A, s1;
	s8 =	simm.s32 @!p0 $0x1BF5;
	p2 =	por !p2, p0  }
0x20: {  	[sflag:s8] =	ssyncset.s32 @!p0 $0xFFFFF086;
	s6 =	sadd.s32 @!p0 s3, s7;
	s7 =	simm.s32 @!p0 $0x108  }
0x21: {  	s3 =	sadd.s32 s3, s9;
	s6 =	sadd.s32 @!p0 $0x88, s6;
	s7 =	simm.s32 @p2 $0x1082  }
0x22: {  	[simem:s7], [sflag:s8] =	dma.local @!p0 [hbm:s6], $0xF7A  }
0x23: {  	s9 =	sor.u32 $0xD0000000, s2;
	s6 =	simm.s32 $0x108;
	_ =	swait.ge @!p0 [sflag:s8], $0x0  }
0x24: {  	s3 =	sadd.s32 $0x88, s3;
	s6 =	simm.s32 @!p1 $0x1082;
	[sflag:s4] =	ssyncset.s32 $0xFFFFF086  }
0x25: {  	[simem:s6], [sflag:s4] =	dma.local [hbm:s3], $0xF7A  }
0x26: {  	[smem:$0x3F9C] =	sst s1;
	(tag) =	ssettag s2;
	_ =	strace s9  }
0x27: {  	s1 =	sld [smem:$0x3FAC]  }
0x28: {  	s2 =	sld [smem:$0x3FAD]  }
0x29: {  	s4 =	sld [smem:$0x3FAF]  }
0x2a: {  	p0 =	seq.s32 s5, $0x0;
	s5 =	sld [smem:$0x3FB0]  }
0x2b: {  	s6 =	sld [smem:$0x3FB1]  }
0x2c: {  	s7 =	sld [smem:$0x3FB2]  }
0x2d: {  	s3 =	simm.s32 $0x108;
	s8 =	sld [smem:$0x3FB3]  }
0x2e: {  	s3 =	simm.s32 @!p0 $0x1082;
	s9 =	sld [smem:$0x3FB4]  }
0x2f: {  	lr =	sadd.s32 s0, s3;
	s0 =	sld [smem:$0x3FAB]  }
0x30: {  	s3 =	sld [smem:$0x3FAE]  }
0x31: {  	[smem:$0x3FB7] =	sst s10  }
0x32: {  	s10 =	sld [smem:$0x3FB5];
	_ =	sdelay $0x3  }
0x33: {  	p0 =	seq.s32 s10, $0x1;
	s10 =	sld [smem:$0x3FB7];
	_ =	sdelay $0x3  }
0x34: {  	[smem:$0x3FB7] =	sst s10  }
0x35: {  	s10 =	sld [smem:$0x3FB6];
	_ =	sdelay $0x3  }
0x36: {  	p1 =	seq.s32 s10, $0x1;
	s10 =	sld [smem:$0x3FB7];
	_ =	sdelay $0x3  }
0x37: {  	[smem:$0x3FB7] =	sst s10  }
0x38: {  	s10 =	sld [smem:$0x3FB8]  }
0x39: {  	_ = 	snop;
	(pc) =	sbr.ind lr, $3  }
0x3a: {  	_ = 	snop  }
0x3b: {  	_ = 	snop  }
0x3c: {  	p2 =	seq.s32 s10, $0x1;
	s10 =	sld [smem:$0x3FB7]  }
0x3d: {  	_ =	shalt  }
0x3e: {  	_ =	shalt  }
0x3f: {  	_ =	shalt  }
0x40: {  	_ =	shalt  }
0x41: {  	_ =	shalt  }
0x42: {  	_ =	shalt  }
0x43: {  	_ =	shalt  }
0x44: {  	_ =	shalt  }
0x45: {  	_ =	shalt  }
0x46: {  	_ =	shalt  }
0x47: {  	_ =	shalt  }
0x48: {  	_ =	shalt  }
0x49: {  	_ =	shalt  }
0x4a: {  	_ =	shalt  }
0x4b: {  	_ =	shalt  }
0x4c: {  	_ =	shalt  }
0x4d: {  	_ =	shalt  }
0x4e: {  	_ =	shalt  }
0x4f: {  	_ =	shalt  }
0x50: {  	_ =	shalt  }
0x51: {  	_ =	shalt  }
0x52: {  	_ =	shalt  }
0x53: {  	_ =	shalt  }
0x54: {  	_ =	shalt  }
0x55: {  	_ =	shalt  }
0x56: {  	_ =	shalt  }
0x57: {  	_ =	shalt  }
0x58: {  	_ =	shalt  }
0x59: {  	_ =	shalt  }
0x5a: {  	_ =	shalt  }
0x5b: {  	_ =	shalt  }
0x5c: {  	_ =	shalt  }
0x5d: {  	_ =	shalt  }
0x5e: {  	_ =	shalt  }
0x5f: {  	_ =	shalt  }
0x60: {  	_ =	shalt  }
0x61: {  	_ =	shalt  }
0x62: {  	_ =	shalt  }
0x63: {  	_ =	shalt  }
0x64: {  	_ =	shalt  }
0x65: {  	_ =	shalt  }
0x66: {  	_ =	shalt  }
0x67: {  	_ =	shalt  }
0x68: {  	_ =	shalt  }
0x69: {  	_ =	shalt  }
0x6a: {  	_ =	shalt  }
0x6b: {  	_ =	shalt  }
0x6c: {  	_ =	shalt  }
0x6d: {  	_ =	shalt  }
0x6e: {  	_ =	shalt  }
0x6f: {  	_ =	shalt  }
0x70: {  	_ =	shalt  }
0x71: {  	_ =	shalt  }
0x72: {  	_ =	shalt  }
0x73: {  	_ =	shalt  }
0x74: {  	_ =	shalt  }
0x75: {  	_ =	shalt  }
0x76: {  	_ =	shalt  }
0x77: {  	_ =	shalt  }
0x78: {  	_ =	shalt  }
0x79: {  	_ =	shalt  }
0x7a: {  	_ =	shalt  }
0x7b: {  	_ =	shalt  }
0x7c: {  	_ =	shalt  }
0x7d: {  	_ =	shalt  }
0x7e: {  	_ =	shalt  }
0x7f: {  	_ =	shalt  }
0x80: {  	_ =	shalt  }
0x81: {  	_ =	shalt  }
0x82: {  	_ =	shalt  }
0x83: {  	_ =	shalt  }
0x84: {  	_ =	shalt  }
0x85: {  	_ =	shalt  }
0x86: {  	_ =	shalt  }
0x87: {  	_ =	shalt  }
.Lfunc_end0:
.L_simem_size_0:
called_computation_lowered:
.L_overlay_start_0:
0x88: {  	s2 =	sld [smem:$0x3FD9]  }
0x89: {  	s3 =	sld [smem:$0x3FFE];
	_ =	sdelay $0x1  }
0x8a: {  	s1 =	srdreg.scid  }
0x8b: {  	s0 =	sand.u32 $0x1, s1  }
0x8c: {  	s17 =	sshll.u32 s0, $0xA;
	s2 =	sadd.s32 s3, s2  }
0x8d: {  	s2 =	sadd.s32 s2, s17  }
0x8e: {  	[smem:$0x3FC3] =	sst s2  }
0x8f: {  	_ = 	snop  }
0x90: {  	s2 =	sld [smem:$0x3FC9]  }
0x91: {  	s18 =	sld [smem:$0x3FC8]  }
0x92: {  	s4 =	sld [smem:$0x3FC6]  }
0x93: {  	s5 =	sld [smem:$0x3FC5];
	(tm) =	ssettm $0x1  }
0x94: {  	s6 =	sld [smem:$0x3FFB];
	_ =	sdelay $0x3  }
0x95: {  	_ =	strace s6  }
0x96: {  	s6 =	sld [smem:$0x3FFC];
	_ =	sdelay $0x3  }
0x97: {  	_ =	strace s6  }
0x98: {  	s6 =	sld [smem:$0x3FFD];
	_ =	sdelay $0x3  }
0x99: {  	_ =	strace s6  }
0x9a: {  	_ =	strace $0x8FFFFFFF  }
0x9b: {  	s19 =	sld [smem:$0x3FDB];
	_ =	sdelay $0x1  }
0x9c: {  	s7 =	simm.s32 $_scs_section_size  }
0x9d: {  	s8 =	simm.s32 $_size__tile_overlayer_lowered;
	s9 =	simm.s32 $_tile_overlayer_lowered  }
0x9e: {  	s22 =	simm.s32 $0x1BFF;
	s21 =	sshll.u32 s9, $0x1;
	s6 =	sadd.s32 s7, s19  }
0x9f: {  	s10 =	simm.s32 $0x0;
	s20 =	sshll.u32 s8, $0x1;
	s8 =	sadd.s32 s21, s6  }
0xa0: {  	[timem:s10], [sflag:s22] =	dma.local [hbm:s8], s20  }
0xa1: {  	_ =	swait.ge [sflag:s22], s20  }
0xa2: {  	s7 =	ssub.s32 $0x0, s20;
	[sflag:s22] =	ssyncset.done $0x0  }
0xa3: {  	[sflag:s22] =	ssyncadd.s32 s7;
	_ =	sdelay $0x1  }
0xa4: {  	s23 =	simm.s32 $0x1B8B  }
0xa5: {  	_ =	swait.ge [sflag:s23], $0x1  }
0xa6: {  	[sflag:s23] =	ssyncset.done $0x0  }
0xa7: {  	s25 =	simm.s32 $0x1B8E;
	s24 =	sld [smem:$0x3FFE];
	[sflag:s23] =	ssyncadd.s32 $0xFFFFFFFF  }
0xa8: {  	s26 =	simm.s32 $execute0_lowered;
	[smem:$0x3FD2] =	sst s25  }
0xa9: {  	s8 =	sshll.u32 s26, $0x1;
	_ =	strace $0x80000046;
	[dreg:$0x1] =	wrdreg $0xFFFFFFFF  }
0xaa: {  	s28 =	simm.s32 $_size_execute0_lowered;
	s6 =	sadd.s32 s6, s8;
	[dreg:$0x0] =	wrdreg $0x0  }
0xab: {  	s8 =	sshll.u32 s28, $0x1;
	[dreg:$0x2] =	wrdreg s6  }
0xac: {  	[dreg:$0x3] =	wrdreg s8  }
0xad: {  	[dreg:$0x4] =	wrdreg $0xC0  }
0xae: {  	_ =	task [dreg:s10], $0x5FFFF  }
0xaf: {  	[dreg:$0x1] =	wrdreg $0xFFFFFFFF  }
0xb0: {  	[dreg:$0x0] =	wrdreg $0x60  }
0xb1: {  	[dreg:$0x2] =	wrdreg s2  }
0xb2: {  	[dreg:$0x3] =	wrdreg s18  }
0xb3: {  	[dreg:$0x4] =	wrdreg s24  }
0xb4: {  	[dreg:$0x5] =	wrdreg s4  }
0xb5: {  	[dreg:$0x6] =	wrdreg s5  }
0xb6: {  	[dreg:$0x7] =	wrdreg $0x9D000  }
0xb7: {  	[dreg:$0x8] =	wrdreg $0x9  }
0xb8: {  	_ =	task.clear_ibuf [dreg:s10], $0x9FFFF;
	_ =	strace $0x90000046  }
0xb9: {  	s29 =	simm.s32 $0x9;
	_ =	strace $0x80000048  }
0xba: {  	_ =	swait.ge [sflag:s29], $0x1  }
0xbb: {  	[sflag:s29] =	ssyncadd.s32 $0xFFFFFFFF  }
0xbc: {  	_ =	strace $0x90000048  }
0xbd: {  	_ =	sfence  }
0xbe: {  	s30 =	sld [smem:$0x0];
	_ =	sdelay $0x2  }
0xbf: {  	s31 =	sshll.u32 s1, $0xD;
	s1 =	sshrl.u32 s1, $0x2  }
0xc0: {  	s3 =	sand.u32 $0x4000, s31;
	s1 =	sadd.s32 s1, s30  }
0xc1: {  	s0 =	sor.u32 s3, s0;
	s1 =	sshll.u32 s1, $0x11  }
0xc2: {  	s0 =	sor.u32 s1, s0  }
0xc3: {  	s0 =	sadd.s32 $0x8F2B, s0  }
0xc4: {  	[sflag:s0] =	ssyncadd.remote.s32 $0x1  }
0xc5: {  	_ =	sfence.sel $0xFFFF  }
0xc6: {  	[dreg:$0x0] =	wrdreg $0xFFFFFFFF;
	(pc) =	sbr.abs _section_cstart, $3  }
0xc7: {  	[dreg:$0x1] =	wrdreg $0xFFFFFFFF  }
0xc8: {  	_ =	task.clear_ibuf [dreg:s10], $0x2FFFF;
	_ =	strace $0x9FFFFFFF  }
0xc9: {  	(tm) =	ssettm $0x7FFFFFFF  }
tec
execute0_lowered:
.L_overlay_start_1:
0x0: {  	(tag) =	ssettag $0x1  }
0x1: {  	s5 =	rddreg [dreg:$0x0]  }
0x2: {  	s6 =	rddreg [dreg:$0x1]  }
0x3: {  	s7 =	rddreg [dreg:$0x2]  }
0x4: {  	s0 =	rddreg [dreg:$0x3]  }
0x5: {  	s1 =	srdreg.scid;
	s2 =	rddreg [dreg:$0x4]  }
0x6: {  	s3 =	rddreg [dreg:$0x5];
	s20 =	stileid.u32;
	s4 =	simm.s32 $0x0  }
0x7: {  	s14 =	simm.s32 $0x80;
	s15 =	simm.s32 $0x400;
	s16 =	simm.s32 $0x4400  }
0x8: {  	s17 =	simm.s32 $0x1;
	s18 =	simm.s32 $0x2;
	s19 =	simm.s32 $0x9400  }
0x9: {  	s21 =	simm.s32 $0x0;
	s8 =	sand.u32 $0x1, s1;
	s1 =	rddreg [dreg:$0x6]  }
0xa: {  	s11 =	sshll.u32 s20, $0x9;
	[smem:$0x7FF] =	sst s4;
	p0 =	sne.s32 s20, $0x0  }
0xb: {  	v0 =	vlaneseq.u32;
	s9 =	sshll.u32 s8, $0x4;
	s13 =	sand.u32 $0x200, s11;
	_ =	strace $0x80000047  }
0xc: {  	v0 =	vmul.u32 $0x80, v0;
	s8 =	ssub.s32 $0x2, s8;
	s31 =	sshrl.u32 s11, $0x2;
	s10 =	sor.u32 s20, s9  }
0xd: {  	v1 =	vimm.f32 $0.0e+00;
	s11 =	simm.s32 $0x3;
	s30 =	sshrl.u32 s8, $0x1;
	s10 =	sshll.u32 s10, $0x9  }
0xe: {  	s9 =	sadd.s32 s9, s7;
	v2 =	vor.u32 $0x1, v0;
	v3 =	vor.u32 $0x2, v0;
	v4 =	vor.u32 $0x3, v0;
	s20 =	simm.s32 $0x9C00;
	s12 =	sand.u32 $0x3C00, s10  }
0xf: {  	v5 =	vor.u32 $0x4, v0;
	v6 =	vor.u32 $0x5, v0;
	v7 =	vor.u32 $0x6, v0;
	s9 =	sadd.s32 $0x4600, s9;
	s10 =	sadd.s32 s10, s7;
	s12 =	sor.u32 s13, s12  }
0x10: {  	v8 =	vor.u32 $0x7, v0;
	v9 =	vor.u32 $0x8, v0;
	v10 =	vor.u32 $0x9, v0;
	s13 =	ssub.s32 s8, s30;
	s7 =	sadd.s32 $0x600, s10;
	s8 =	sadd.s32 s31, s3  }
0x11: {  	v11 =	vor.u32 $0xA, v0;
	v12 =	vor.u32 $0xB, v0;
	v13 =	vor.u32 $0xC, v0;
	s12 =	sshrl.u32 s12, $0x3;
	s10 =	smax.u32 s13, $0x1;
	s13 =	simm.s32 $0x8400  }
0x12: {  	v14 =	vor.u32 $0xD, v0;
	v15 =	vor.u32 $0xE, v0;
	v16 =	vor.u32 $0xF, v0;
	s5 =	sadd.s32 s5, s12;
	s6 =	sadd.s32 s6, s12;
	s12 =	simm.s32 $0x200  }
.LBB2_1:
0x13: {  	[tilespmem:s4], [sflag:$0x3] =	stream.linear.gather [hbm4b:s5+s4], $0x200, $0x38;
	[tilespmem:$0x9D10] =	vst v63  }
0x14: {  	_ =	swait.ge [sflag:s11], $0x200  }
0x15: {  	[sflag:s11] =	ssyncset.done $0x0  }
0x16: {  	[sflag:s11] =	ssyncadd.s32 $0xFFFFFE00  }
0x17: {  	[tilespmem:s12], [sflag:$0x3] =	stream.linear.gather [hbm4b:s6+s4], $0x200, $0x38;
	[tilespmem:$0x9D10] =	vst v63  }
0x18: {  	_ =	swait.ge [sflag:s11], $0x200  }
0x19: {  	[sflag:s11] =	ssyncset.done $0x0  }
0x1a: {  	[sflag:s11] =	ssyncadd.s32 $0xFFFFFE00  }
0x1b: {  	[tilespmem:s13], [sflag:$0x3] =	stream.linear.gather [hbm4b:s7+s4], $0x1000, $0x38;
	[tilespmem:$0x9D10] =	vst v63  }
0x1c: {  	_ =	swait.ge [sflag:s11], $0x1000  }
0x1d: {  	[sflag:s11] =	ssyncset.done $0x0  }
0x1e: {  	[sflag:s11] =	ssyncadd.s32 $0xFFFFF000  }
0x1f: {  	s22 =	simm.s32 $0x0;
	[tilespmem:$0x9C00] =	vst v1  }
.LBB2_2:
0x20: {  	s23 =	sshll.u32 s22, $0x7  }
0x21: {  	[tilespmem:s15], [sflag:$0x1] =	stream.indirect.gather [hbm4b:s0+s14], $0x80, s23, s14, $0xb8;
	[tilespmem:$0x9D10] =	vst v63  }
0x22: {  	s23 =	sadd.s32 $0x200, s23  }
0x23: {  	[tilespmem:s16], [sflag:$0x2] =	stream.indirect.gather [hbm4b:s2+s14], $0x80, s23, s14, $0xb8;
	[tilespmem:$0x9D10] =	vst v63  }
0x24: {  	_ =	swait.ge [sflag:s17], $0x4000  }
0x25: {  	[sflag:s17] =	ssyncset.done $0x0  }
0x26: {  	s31 =	sshll.u32 s22, $0xA;
	[sflag:s17] =	ssyncadd.s32 $0xFFFFC000  }
0x27: {  	s23 =	sand.u32 $0x3FFFFC00, s31;
	_ =	swait.ge [sflag:s18], $0x4000  }
0x28: {  	s24 =	sadd.s32 $0x8400, s23;
	[sflag:s18] =	ssyncset.done $0x0  }
0x29: {  	s23 =	simm.s32 $0x0;
	v17 =	vmov s24;
	[sflag:s18] =	ssyncadd.s32 $0xFFFFC000  }
.LBB2_3:
0x2a: {  	s24 =	sshll.u32 s23, $0xB  }
0x2b: {  	v18 =	vld [tilespmem:s24+$0x400]  }
0x2c: {  	v19 =	vld [tilespmem:s24+$0x4400]  }
0x2d: {  	v20 =	vld [tilespmem:s24+$0x410]  }
0x2e: {  	v21 =	vld [tilespmem:s24+$0x4410]  }
0x2f: {  	v22 =	vld [tilespmem:s24+$0x420]  }
0x30: {  	v23 =	vld [tilespmem:s24+$0x4420]  }
0x31: {  	v24 =	vld [tilespmem:s24+$0x430]  }
0x32: {  	v25 =	vld [tilespmem:s24+$0x4430]  }
0x33: {  	v52 =	vld [tilespmem:s24+$0x440];
	v18 =	vmul.f32 v19, v18;
	v19 =	vmul.f32 v21, v20  }
0x34: {  	v53 =	vld [tilespmem:s24+$0x4440]  }
0x35: {  	v54 =	vld [tilespmem:s24+$0x450];
	v18 =	vadd.f32 v19, v18;
	v19 =	vmul.f32 v23, v22  }
0x36: {  	v55 =	vld [tilespmem:s24+$0x4450]  }
0x37: {  	v56 =	vld [tilespmem:s24+$0x460];
	v18 =	vadd.f32 v19, v18;
	v19 =	vmul.f32 v25, v24  }
0x38: {  	v57 =	vld [tilespmem:s24+$0x4460]  }
0x39: {  	v58 =	vld [tilespmem:s24+$0x470];
	v18 =	vadd.f32 v19, v18;
	v19 =	vmul.f32 v53, v52  }
0x3a: {  	v59 =	vld [tilespmem:s24+$0x4470]  }
0x3b: {  	v18 =	vadd.f32 v19, v18;
	v19 =	vmul.f32 v55, v54;
	_ =	sdelay $0x1  }
0x3c: {  	v18 =	vadd.f32 v19, v18;
	v19 =	vmul.f32 v57, v56;
	_ =	sdelay $0x1  }
0x3d: {  	v18 =	vadd.f32 v19, v18;
	v19 =	vmul.f32 v59, v58;
	_ =	sdelay $0x1  }
0x3e: {  	v18 =	vadd.f32 v19, v18;
	_ =	sdelay $0x1  }
0x3f: {  	[tilespmem:$0x9400] =	vst v18  }
0x40: {  	v18 =	vld [tilespmem:s24+$0x480]  }
0x41: {  	v19 =	vld [tilespmem:s24+$0x4480]  }
0x42: {  	v60 =	vld [tilespmem:s24+$0x490]  }
0x43: {  	v61 =	vld [tilespmem:s24+$0x4490]  }
0x44: {  	v62 =	vld [tilespmem:s24+$0x4A0]  }
0x45: {  	v63 =	vld [tilespmem:s24+$0x44A0]  }
0x46: {  	v28 =	vld [tilespmem:s24+$0x4B0]  }
0x47: {  	v29 =	vld [tilespmem:s24+$0x44B0]  }
0x48: {  	v30 =	vld [tilespmem:s24+$0x4C0];
	v18 =	vmul.f32 v19, v18;
	v19 =	vmul.f32 v61, v60  }
0x49: {  	v31 =	vld [tilespmem:s24+$0x44C0]  }
0x4a: {  	v32 =	vld [tilespmem:s24+$0x4D0];
	v18 =	vadd.f32 v19, v18;
	v19 =	vmul.f32 v63, v62  }
0x4b: {  	v33 =	vld [tilespmem:s24+$0x44D0]  }
0x4c: {  	v34 =	vld [tilespmem:s24+$0x4E0];
	v18 =	vadd.f32 v19, v18;
	v19 =	vmul.f32 v29, v28  }
0x4d: {  	v35 =	vld [tilespmem:s24+$0x44E0]  }
0x4e: {  	v36 =	vld [tilespmem:s24+$0x4F0];
	v18 =	vadd.f32 v19, v18;
	v19 =	vmul.f32 v31, v30  }
0x4f: {  	v37 =	vld [tilespmem:s24+$0x44F0]  }
0x50: {  	v18 =	vadd.f32 v19, v18;
	v19 =	vmul.f32 v33, v32;
	_ =	sdelay $0x1  }
0x51: {  	v18 =	vadd.f32 v19, v18;
	v19 =	vmul.f32 v35, v34;
	_ =	sdelay $0x1  }
0x52: {  	v18 =	vadd.f32 v19, v18;
	v19 =	vmul.f32 v37, v36;
	_ =	sdelay $0x1  }
0x53: {  	v18 =	vadd.f32 v19, v18;
	_ =	sdelay $0x1  }
0x54: {  	[tilespmem:$0x9480] =	vst v18  }
0x55: {  	v18 =	vld [tilespmem:s24+$0x500]  }
0x56: {  	v19 =	vld [tilespmem:s24+$0x4500]  }
0x57: {  	v38 =	vld [tilespmem:s24+$0x510]  }
0x58: {  	v39 =	vld [tilespmem:s24+$0x4510]  }
0x59: {  	v40 =	vld [tilespmem:s24+$0x520]  }
0x5a: {  	v41 =	vld [tilespmem:s24+$0x4520]  }
0x5b: {  	v42 =	vld [tilespmem:s24+$0x530]  }
0x5c: {  	v43 =	vld [tilespmem:s24+$0x4530]  }
0x5d: {  	v44 =	vld [tilespmem:s24+$0x540];
	v18 =	vmul.f32 v19, v18;
	v19 =	vmul.f32 v39, v38  }
0x5e: {  	v45 =	vld [tilespmem:s24+$0x4540]  }
0x5f: {  	v46 =	vld [tilespmem:s24+$0x550];
	v18 =	vadd.f32 v19, v18;
	v19 =	vmul.f32 v41, v40  }
0x60: {  	v47 =	vld [tilespmem:s24+$0x4550]  }
0x61: {  	v48 =	vld [tilespmem:s24+$0x560];
	v18 =	vadd.f32 v19, v18;
	v19 =	vmul.f32 v43, v42  }
0x62: {  	v49 =	vld [tilespmem:s24+$0x4560]  }
0x63: {  	v50 =	vld [tilespmem:s24+$0x570];
	v18 =	vadd.f32 v19, v18;
	v19 =	vmul.f32 v45, v44  }
0x64: {  	v51 =	vld [tilespmem:s24+$0x4570]  }
0x65: {  	v18 =	vadd.f32 v19, v18;
	v19 =	vmul.f32 v47, v46;
	_ =	sdelay $0x1  }
0x66: {  	v18 =	vadd.f32 v19, v18;
	v19 =	vmul.f32 v49, v48;
	_ =	sdelay $0x1  }
0x67: {  	v18 =	vadd.f32 v19, v18;
	v19 =	vmul.f32 v51, v50;
	_ =	sdelay $0x1  }
0x68: {  	v18 =	vadd.f32 v19, v18;
	_ =	sdelay $0x1  }
0x69: {  	[tilespmem:$0x9500] =	vst v18  }
0x6a: {  	v18 =	vld [tilespmem:s24+$0x580]  }
0x6b: {  	v19 =	vld [tilespmem:s24+$0x4580]  }
0x6c: {  	v52 =	vld [tilespmem:s24+$0x590]  }
0x6d: {  	v53 =	vld [tilespmem:s24+$0x4590]  }
0x6e: {  	v54 =	vld [tilespmem:s24+$0x5A0]  }
0x6f: {  	v55 =	vld [tilespmem:s24+$0x45A0]  }
0x70: {  	v56 =	vld [tilespmem:s24+$0x5B0]  }
0x71: {  	v57 =	vld [tilespmem:s24+$0x45B0]  }
0x72: {  	v58 =	vld [tilespmem:s24+$0x5C0];
	v18 =	vmul.f32 v19, v18;
	v19 =	vmul.f32 v53, v52  }
0x73: {  	v59 =	vld [tilespmem:s24+$0x45C0]  }
0x74: {  	v60 =	vld [tilespmem:s24+$0x5D0];
	v18 =	vadd.f32 v19, v18;
	v19 =	vmul.f32 v55, v54  }
0x75: {  	v61 =	vld [tilespmem:s24+$0x45D0]  }
0x76: {  	v62 =	vld [tilespmem:s24+$0x5E0];
	v18 =	vadd.f32 v19, v18;
	v19 =	vmul.f32 v57, v56  }
0x77: {  	v63 =	vld [tilespmem:s24+$0x45E0]  }
0x78: {  	v26 =	vld [tilespmem:s24+$0x5F0];
	v18 =	vadd.f32 v19, v18;
	v19 =	vmul.f32 v59, v58  }
0x79: {  	v27 =	vld [tilespmem:s24+$0x45F0]  }
0x7a: {  	v18 =	vadd.f32 v19, v18;
	v19 =	vmul.f32 v61, v60;
	_ =	sdelay $0x1  }
0x7b: {  	v18 =	vadd.f32 v19, v18;
	v19 =	vmul.f32 v63, v62;
	_ =	sdelay $0x1  }
0x7c: {  	v18 =	vadd.f32 v19, v18;
	v19 =	vmul.f32 v27, v26;
	_ =	sdelay $0x1  }
0x7d: {  	v18 =	vadd.f32 v19, v18;
	_ =	sdelay $0x1  }
0x7e: {  	[tilespmem:$0x9580] =	vst v18  }
0x7f: {  	v18 =	vld [tilespmem:s24+$0x600]  }
0x80: {  	v19 =	vld [tilespmem:s24+$0x4600]  }
0x81: {  	v28 =	vld [tilespmem:s24+$0x610]  }
0x82: {  	v29 =	vld [tilespmem:s24+$0x4610]  }
0x83: {  	v30 =	vld [tilespmem:s24+$0x620]  }
0x84: {  	v31 =	vld [tilespmem:s24+$0x4620]  }
0x85: {  	v32 =	vld [tilespmem:s24+$0x630]  }
0x86: {  	v33 =	vld [tilespmem:s24+$0x4630]  }
0x87: {  	v34 =	vld [tilespmem:s24+$0x640];
	v18 =	vmul.f32 v19, v18;
	v19 =	vmul.f32 v29, v28  }
0x88: {  	v35 =	vld [tilespmem:s24+$0x4640]  }
0x89: {  	v36 =	vld [tilespmem:s24+$0x650];
	v18 =	vadd.f32 v19, v18;
	v19 =	vmul.f32 v31, v30  }
0x8a: {  	v37 =	vld [tilespmem:s24+$0x4650]  }
0x8b: {  	v38 =	vld [tilespmem:s24+$0x660];
	v18 =	vadd.f32 v19, v18;
	v19 =	vmul.f32 v33, v32  }
0x8c: {  	v39 =	vld [tilespmem:s24+$0x4660]  }
0x8d: {  	v40 =	vld [tilespmem:s24+$0x670];
	v18 =	vadd.f32 v19, v18;
	v19 =	vmul.f32 v35, v34  }
0x8e: {  	v41 =	vld [tilespmem:s24+$0x4670]  }
0x8f: {  	v18 =	vadd.f32 v19, v18;
	v19 =	vmul.f32 v37, v36;
	_ =	sdelay $0x1  }
0x90: {  	v18 =	vadd.f32 v19, v18;
	v19 =	vmul.f32 v39, v38;
	_ =	sdelay $0x1  }
0x91: {  	v18 =	vadd.f32 v19, v18;
	v19 =	vmul.f32 v41, v40;
	_ =	sdelay $0x1  }
0x92: {  	v18 =	vadd.f32 v19, v18;
	_ =	sdelay $0x1  }
0x93: {  	[tilespmem:$0x9600] =	vst v18  }
0x94: {  	v18 =	vld [tilespmem:s24+$0x680]  }
0x95: {  	v19 =	vld [tilespmem:s24+$0x4680]  }
0x96: {  	v42 =	vld [tilespmem:s24+$0x690]  }
0x97: {  	v43 =	vld [tilespmem:s24+$0x4690]  }
0x98: {  	v44 =	vld [tilespmem:s24+$0x6A0]  }
0x99: {  	v45 =	vld [tilespmem:s24+$0x46A0]  }
0x9a: {  	v46 =	vld [tilespmem:s24+$0x6B0]  }
0x9b: {  	v47 =	vld [tilespmem:s24+$0x46B0]  }
0x9c: {  	v48 =	vld [tilespmem:s24+$0x6C0];
	v18 =	vmul.f32 v19, v18;
	v19 =	vmul.f32 v43, v42  }
0x9d: {  	v49 =	vld [tilespmem:s24+$0x46C0]  }
0x9e: {  	v50 =	vld [tilespmem:s24+$0x6D0];
	v18 =	vadd.f32 v19, v18;
	v19 =	vmul.f32 v45, v44  }
0x9f: {  	v51 =	vld [tilespmem:s24+$0x46D0]  }
0xa0: {  	v52 =	vld [tilespmem:s24+$0x6E0];
	v18 =	vadd.f32 v19, v18;
	v19 =	vmul.f32 v47, v46  }
0xa1: {  	v53 =	vld [tilespmem:s24+$0x46E0]  }
0xa2: {  	v54 =	vld [tilespmem:s24+$0x6F0];
	v18 =	vadd.f32 v19, v18;
	v19 =	vmul.f32 v49, v48  }
0xa3: {  	v55 =	vld [tilespmem:s24+$0x46F0]  }
0xa4: {  	v18 =	vadd.f32 v19, v18;
	v19 =	vmul.f32 v51, v50;
	_ =	sdelay $0x1  }
0xa5: {  	v18 =	vadd.f32 v19, v18;
	v19 =	vmul.f32 v53, v52;
	_ =	sdelay $0x1  }
0xa6: {  	v18 =	vadd.f32 v19, v18;
	v19 =	vmul.f32 v55, v54;
	_ =	sdelay $0x1  }
0xa7: {  	v18 =	vadd.f32 v19, v18;
	_ =	sdelay $0x1  }
0xa8: {  	[tilespmem:$0x9680] =	vst v18  }
0xa9: {  	v18 =	vld [tilespmem:s24+$0x700]  }
0xaa: {  	v19 =	vld [tilespmem:s24+$0x4700]  }
0xab: {  	v56 =	vld [tilespmem:s24+$0x710]  }
0xac: {  	v57 =	vld [tilespmem:s24+$0x4710]  }
0xad: {  	v58 =	vld [tilespmem:s24+$0x720]  }
0xae: {  	v59 =	vld [tilespmem:s24+$0x4720]  }
0xaf: {  	v60 =	vld [tilespmem:s24+$0x730]  }
0xb0: {  	v61 =	vld [tilespmem:s24+$0x4730]  }
0xb1: {  	v62 =	vld [tilespmem:s24+$0x740];
	v18 =	vmul.f32 v19, v18;
	v19 =	vmul.f32 v57, v56  }
0xb2: {  	v63 =	vld [tilespmem:s24+$0x4740]  }
0xb3: {  	v28 =	vld [tilespmem:s24+$0x750];
	v18 =	vadd.f32 v19, v18;
	v19 =	vmul.f32 v59, v58  }
0xb4: {  	v29 =	vld [tilespmem:s24+$0x4750]  }
0xb5: {  	v30 =	vld [tilespmem:s24+$0x760];
	v18 =	vadd.f32 v19, v18;
	v19 =	vmul.f32 v61, v60  }
0xb6: {  	v31 =	vld [tilespmem:s24+$0x4760]  }
0xb7: {  	v32 =	vld [tilespmem:s24+$0x770];
	v18 =	vadd.f32 v19, v18;
	v19 =	vmul.f32 v63, v62  }
0xb8: {  	v33 =	vld [tilespmem:s24+$0x4770]  }
0xb9: {  	v18 =	vadd.f32 v19, v18;
	v19 =	vmul.f32 v29, v28;
	_ =	sdelay $0x1  }
0xba: {  	v18 =	vadd.f32 v19, v18;
	v19 =	vmul.f32 v31, v30;
	_ =	sdelay $0x1  }
0xbb: {  	v18 =	vadd.f32 v19, v18;
	v19 =	vmul.f32 v33, v32;
	_ =	sdelay $0x1  }
0xbc: {  	v18 =	vadd.f32 v19, v18;
	_ =	sdelay $0x1  }
0xbd: {  	[tilespmem:$0x9700] =	vst v18  }
0xbe: {  	v18 =	vld [tilespmem:s24+$0x780]  }
0xbf: {  	v19 =	vld [tilespmem:s24+$0x4780]  }
0xc0: {  	v34 =	vld [tilespmem:s24+$0x790]  }
0xc1: {  	v35 =	vld [tilespmem:s24+$0x4790]  }
0xc2: {  	v36 =	vld [tilespmem:s24+$0x7A0]  }
0xc3: {  	v37 =	vld [tilespmem:s24+$0x47A0]  }
0xc4: {  	v38 =	vld [tilespmem:s24+$0x7B0]  }
0xc5: {  	v39 =	vld [tilespmem:s24+$0x47B0]  }
0xc6: {  	v40 =	vld [tilespmem:s24+$0x7C0];
	v18 =	vmul.f32 v19, v18;
	v19 =	vmul.f32 v35, v34  }
0xc7: {  	v41 =	vld [tilespmem:s24+$0x47C0]  }
0xc8: {  	v42 =	vld [tilespmem:s24+$0x7D0];
	v18 =	vadd.f32 v19, v18;
	v19 =	vmul.f32 v37, v36  }
0xc9: {  	v43 =	vld [tilespmem:s24+$0x47D0]  }
0xca: {  	v44 =	vld [tilespmem:s24+$0x7E0];
	v18 =	vadd.f32 v19, v18;
	v19 =	vmul.f32 v39, v38  }
0xcb: {  	v45 =	vld [tilespmem:s24+$0x47E0]  }
0xcc: {  	v46 =	vld [tilespmem:s24+$0x7F0];
	v18 =	vadd.f32 v19, v18;
	v19 =	vmul.f32 v41, v40  }
0xcd: {  	v47 =	vld [tilespmem:s24+$0x47F0]  }
0xce: {  	v18 =	vadd.f32 v19, v18;
	v19 =	vmul.f32 v43, v42;
	_ =	sdelay $0x1  }
0xcf: {  	v18 =	vadd.f32 v19, v18;
	v19 =	vmul.f32 v45, v44;
	_ =	sdelay $0x1  }
0xd0: {  	v18 =	vadd.f32 v19, v18;
	v19 =	vmul.f32 v47, v46;
	_ =	sdelay $0x1  }
0xd1: {  	v18 =	vadd.f32 v19, v18;
	_ =	sdelay $0x1  }
0xd2: {  	[tilespmem:$0x9780] =	vst v18  }
0xd3: {  	v18 =	vld [tilespmem:s24+$0x800]  }
0xd4: {  	v19 =	vld [tilespmem:s24+$0x4800]  }
0xd5: {  	v48 =	vld [tilespmem:s24+$0x810]  }
0xd6: {  	v49 =	vld [tilespmem:s24+$0x4810]  }
0xd7: {  	v50 =	vld [tilespmem:s24+$0x820]  }
0xd8: {  	v51 =	vld [tilespmem:s24+$0x4820]  }
0xd9: {  	v52 =	vld [tilespmem:s24+$0x830]  }
0xda: {  	v53 =	vld [tilespmem:s24+$0x4830]  }
0xdb: {  	v54 =	vld [tilespmem:s24+$0x840];
	v18 =	vmul.f32 v19, v18;
	v19 =	vmul.f32 v49, v48  }
0xdc: {  	v55 =	vld [tilespmem:s24+$0x4840]  }
0xdd: {  	v56 =	vld [tilespmem:s24+$0x850];
	v18 =	vadd.f32 v19, v18;
	v19 =	vmul.f32 v51, v50  }
0xde: {  	v57 =	vld [tilespmem:s24+$0x4850]  }
0xdf: {  	v58 =	vld [tilespmem:s24+$0x860];
	v18 =	vadd.f32 v19, v18;
	v19 =	vmul.f32 v53, v52  }
0xe0: {  	v59 =	vld [tilespmem:s24+$0x4860]  }
0xe1: {  	v60 =	vld [tilespmem:s24+$0x870];
	v18 =	vadd.f32 v19, v18;
	v19 =	vmul.f32 v55, v54  }
0xe2: {  	v61 =	vld [tilespmem:s24+$0x4870]  }
0xe3: {  	v18 =	vadd.f32 v19, v18;
	v19 =	vmul.f32 v57, v56;
	_ =	sdelay $0x1  }
0xe4: {  	v18 =	vadd.f32 v19, v18;
	v19 =	vmul.f32 v59, v58;
	_ =	sdelay $0x1  }
0xe5: {  	v18 =	vadd.f32 v19, v18;
	v19 =	vmul.f32 v61, v60;
	_ =	sdelay $0x1  }
0xe6: {  	v18 =	vadd.f32 v19, v18;
	_ =	sdelay $0x1  }
0xe7: {  	[tilespmem:$0x9800] =	vst v18  }
0xe8: {  	v18 =	vld [tilespmem:s24+$0x880]  }
0xe9: {  	v19 =	vld [tilespmem:s24+$0x4880]  }
0xea: {  	v62 =	vld [tilespmem:s24+$0x890]  }
0xeb: {  	v63 =	vld [tilespmem:s24+$0x4890]  }
0xec: {  	v28 =	vld [tilespmem:s24+$0x8A0]  }
0xed: {  	v29 =	vld [tilespmem:s24+$0x48A0]  }
0xee: {  	v30 =	vld [tilespmem:s24+$0x8B0]  }
0xef: {  	v31 =	vld [tilespmem:s24+$0x48B0]  }
0xf0: {  	v32 =	vld [tilespmem:s24+$0x8C0];
	v18 =	vmul.f32 v19, v18;
	v19 =	vmul.f32 v63, v62  }
0xf1: {  	v33 =	vld [tilespmem:s24+$0x48C0]  }
0xf2: {  	v34 =	vld [tilespmem:s24+$0x8D0];
	v18 =	vadd.f32 v19, v18;
	v19 =	vmul.f32 v29, v28  }
0xf3: {  	v35 =	vld [tilespmem:s24+$0x48D0]  }
0xf4: {  	v36 =	vld [tilespmem:s24+$0x8E0];
	v18 =	vadd.f32 v19, v18;
	v19 =	vmul.f32 v31, v30  }
0xf5: {  	v37 =	vld [tilespmem:s24+$0x48E0]  }
0xf6: {  	v38 =	vld [tilespmem:s24+$0x8F0];
	v18 =	vadd.f32 v19, v18;
	v19 =	vmul.f32 v33, v32  }
0xf7: {  	v39 =	vld [tilespmem:s24+$0x48F0]  }
0xf8: {  	v18 =	vadd.f32 v19, v18;
	v19 =	vmul.f32 v35, v34;
	_ =	sdelay $0x1  }
0xf9: {  	v18 =	vadd.f32 v19, v18;
	v19 =	vmul.f32 v37, v36;
	_ =	sdelay $0x1  }
0xfa: {  	v18 =	vadd.f32 v19, v18;
	v19 =	vmul.f32 v39, v38;
	_ =	sdelay $0x1  }
0xfb: {  	v18 =	vadd.f32 v19, v18;
	_ =	sdelay $0x1  }
0xfc: {  	[tilespmem:$0x9880] =	vst v18  }
0xfd: {  	v18 =	vld [tilespmem:s24+$0x900]  }
0xfe: {  	v19 =	vld [tilespmem:s24+$0x4900]  }
0xff: {  	v40 =	vld [tilespmem:s24+$0x910]  }
0x100: {  	v41 =	vld [tilespmem:s24+$0x4910]  }
0x101: {  	v42 =	vld [tilespmem:s24+$0x920]  }
0x102: {  	v43 =	vld [tilespmem:s24+$0x4920]  }
0x103: {  	v44 =	vld [tilespmem:s24+$0x930]  }
0x104: {  	v45 =	vld [tilespmem:s24+$0x4930]  }
0x105: {  	v46 =	vld [tilespmem:s24+$0x940];
	v18 =	vmul.f32 v19, v18;
	v19 =	vmul.f32 v41, v40  }
0x106: {  	v47 =	vld [tilespmem:s24+$0x4940]  }
0x107: {  	v48 =	vld [tilespmem:s24+$0x950];
	v18 =	vadd.f32 v19, v18;
	v19 =	vmul.f32 v43, v42  }
0x108: {  	v49 =	vld [tilespmem:s24+$0x4950]  }
0x109: {  	v50 =	vld [tilespmem:s24+$0x960];
	v18 =	vadd.f32 v19, v18;
	v19 =	vmul.f32 v45, v44  }
0x10a: {  	v51 =	vld [tilespmem:s24+$0x4960]  }
0x10b: {  	v52 =	vld [tilespmem:s24+$0x970];
	v18 =	vadd.f32 v19, v18;
	v19 =	vmul.f32 v47, v46  }
0x10c: {  	v53 =	vld [tilespmem:s24+$0x4970]  }
0x10d: {  	v18 =	vadd.f32 v19, v18;
	v19 =	vmul.f32 v49, v48;
	_ =	sdelay $0x1  }
0x10e: {  	v18 =	vadd.f32 v19, v18;
	v19 =	vmul.f32 v51, v50;
	_ =	sdelay $0x1  }
0x10f: {  	v18 =	vadd.f32 v19, v18;
	v19 =	vmul.f32 v53, v52;
	_ =	sdelay $0x1  }
0x110: {  	v18 =	vadd.f32 v19, v18;
	_ =	sdelay $0x1  }
0x111: {  	[tilespmem:$0x9900] =	vst v18  }
0x112: {  	v18 =	vld [tilespmem:s24+$0x980]  }
0x113: {  	v19 =	vld [tilespmem:s24+$0x4980]  }
0x114: {  	v54 =	vld [tilespmem:s24+$0x990]  }
0x115: {  	v55 =	vld [tilespmem:s24+$0x4990]  }
0x116: {  	v56 =	vld [tilespmem:s24+$0x9A0]  }
0x117: {  	v57 =	vld [tilespmem:s24+$0x49A0]  }
0x118: {  	v58 =	vld [tilespmem:s24+$0x9B0]  }
0x119: {  	v59 =	vld [tilespmem:s24+$0x49B0]  }
0x11a: {  	v60 =	vld [tilespmem:s24+$0x9C0];
	v18 =	vmul.f32 v19, v18;
	v19 =	vmul.f32 v55, v54  }
0x11b: {  	v61 =	vld [tilespmem:s24+$0x49C0]  }
0x11c: {  	v62 =	vld [tilespmem:s24+$0x9D0];
	v18 =	vadd.f32 v19, v18;
	v19 =	vmul.f32 v57, v56  }
0x11d: {  	v63 =	vld [tilespmem:s24+$0x49D0]  }
0x11e: {  	v28 =	vld [tilespmem:s24+$0x9E0];
	v18 =	vadd.f32 v19, v18;
	v19 =	vmul.f32 v59, v58  }
0x11f: {  	v29 =	vld [tilespmem:s24+$0x49E0]  }
0x120: {  	v30 =	vld [tilespmem:s24+$0x9F0];
	v18 =	vadd.f32 v19, v18;
	v19 =	vmul.f32 v61, v60  }
0x121: {  	v31 =	vld [tilespmem:s24+$0x49F0]  }
0x122: {  	v18 =	vadd.f32 v19, v18;
	v19 =	vmul.f32 v63, v62;
	_ =	sdelay $0x1  }
0x123: {  	v18 =	vadd.f32 v19, v18;
	v19 =	vmul.f32 v29, v28;
	_ =	sdelay $0x1  }
0x124: {  	v18 =	vadd.f32 v19, v18;
	v19 =	vmul.f32 v31, v30;
	_ =	sdelay $0x1  }
0x125: {  	v18 =	vadd.f32 v19, v18;
	_ =	sdelay $0x1  }
0x126: {  	[tilespmem:$0x9980] =	vst v18  }
0x127: {  	v18 =	vld [tilespmem:s24+$0xA00]  }
0x128: {  	v19 =	vld [tilespmem:s24+$0x4A00]  }
0x129: {  	v32 =	vld [tilespmem:s24+$0xA10]  }
0x12a: {  	v33 =	vld [tilespmem:s24+$0x4A10]  }
0x12b: {  	v34 =	vld [tilespmem:s24+$0xA20]  }
0x12c: {  	v35 =	vld [tilespmem:s24+$0x4A20]  }
0x12d: {  	v36 =	vld [tilespmem:s24+$0xA30]  }
0x12e: {  	v37 =	vld [tilespmem:s24+$0x4A30]  }
0x12f: {  	v38 =	vld [tilespmem:s24+$0xA40];
	v18 =	vmul.f32 v19, v18;
	v19 =	vmul.f32 v33, v32  }
0x130: {  	v39 =	vld [tilespmem:s24+$0x4A40]  }
0x131: {  	v40 =	vld [tilespmem:s24+$0xA50];
	v18 =	vadd.f32 v19, v18;
	v19 =	vmul.f32 v35, v34  }
0x132: {  	v41 =	vld [tilespmem:s24+$0x4A50]  }
0x133: {  	v42 =	vld [tilespmem:s24+$0xA60];
	v18 =	vadd.f32 v19, v18;
	v19 =	vmul.f32 v37, v36  }
0x134: {  	v43 =	vld [tilespmem:s24+$0x4A60]  }
0x135: {  	v44 =	vld [tilespmem:s24+$0xA70];
	v18 =	vadd.f32 v19, v18;
	v19 =	vmul.f32 v39, v38  }
0x136: {  	v45 =	vld [tilespmem:s24+$0x4A70]  }
0x137: {  	v18 =	vadd.f32 v19, v18;
	v19 =	vmul.f32 v41, v40;
	_ =	sdelay $0x1  }
0x138: {  	v18 =	vadd.f32 v19, v18;
	v19 =	vmul.f32 v43, v42;
	_ =	sdelay $0x1  }
0x139: {  	v18 =	vadd.f32 v19, v18;
	v19 =	vmul.f32 v45, v44;
	_ =	sdelay $0x1  }
0x13a: {  	v18 =	vadd.f32 v19, v18;
	_ =	sdelay $0x1  }
0x13b: {  	[tilespmem:$0x9A00] =	vst v18  }
0x13c: {  	v18 =	vld [tilespmem:s24+$0xA80]  }
0x13d: {  	v19 =	vld [tilespmem:s24+$0x4A80]  }
0x13e: {  	v46 =	vld [tilespmem:s24+$0xA90]  }
0x13f: {  	v47 =	vld [tilespmem:s24+$0x4A90]  }
0x140: {  	v48 =	vld [tilespmem:s24+$0xAA0]  }
0x141: {  	v49 =	vld [tilespmem:s24+$0x4AA0]  }
0x142: {  	v50 =	vld [tilespmem:s24+$0xAB0]  }
0x143: {  	v51 =	vld [tilespmem:s24+$0x4AB0]  }
0x144: {  	v52 =	vld [tilespmem:s24+$0xAC0];
	v18 =	vmul.f32 v19, v18;
	v19 =	vmul.f32 v47, v46  }
0x145: {  	v53 =	vld [tilespmem:s24+$0x4AC0]  }
0x146: {  	v54 =	vld [tilespmem:s24+$0xAD0];
	v18 =	vadd.f32 v19, v18;
	v19 =	vmul.f32 v49, v48  }
0x147: {  	v55 =	vld [tilespmem:s24+$0x4AD0]  }
0x148: {  	v56 =	vld [tilespmem:s24+$0xAE0];
	v18 =	vadd.f32 v19, v18;
	v19 =	vmul.f32 v51, v50  }
0x149: {  	v57 =	vld [tilespmem:s24+$0x4AE0]  }
0x14a: {  	v58 =	vld [tilespmem:s24+$0xAF0];
	v18 =	vadd.f32 v19, v18;
	v19 =	vmul.f32 v53, v52  }
0x14b: {  	v59 =	vld [tilespmem:s24+$0x4AF0]  }
0x14c: {  	v18 =	vadd.f32 v19, v18;
	v19 =	vmul.f32 v55, v54;
	_ =	sdelay $0x1  }
0x14d: {  	v18 =	vadd.f32 v19, v18;
	v19 =	vmul.f32 v57, v56;
	_ =	sdelay $0x1  }
0x14e: {  	v18 =	vadd.f32 v19, v18;
	v19 =	vmul.f32 v59, v58;
	_ =	sdelay $0x1  }
0x14f: {  	v18 =	vadd.f32 v19, v18;
	_ =	sdelay $0x1  }
0x150: {  	[tilespmem:$0x9A80] =	vst v18  }
0x151: {  	v18 =	vld [tilespmem:s24+$0xB00]  }
0x152: {  	v19 =	vld [tilespmem:s24+$0x4B00]  }
0x153: {  	v60 =	vld [tilespmem:s24+$0xB10]  }
0x154: {  	v61 =	vld [tilespmem:s24+$0x4B10]  }
0x155: {  	v62 =	vld [tilespmem:s24+$0xB20]  }
0x156: {  	v63 =	vld [tilespmem:s24+$0x4B20]  }
0x157: {  	v28 =	vld [tilespmem:s24+$0xB30]  }
0x158: {  	v29 =	vld [tilespmem:s24+$0x4B30]  }
0x159: {  	v30 =	vld [tilespmem:s24+$0xB40];
	v18 =	vmul.f32 v19, v18;
	v19 =	vmul.f32 v61, v60  }
0x15a: {  	v31 =	vld [tilespmem:s24+$0x4B40]  }
0x15b: {  	v32 =	vld [tilespmem:s24+$0xB50];
	v18 =	vadd.f32 v19, v18;
	v19 =	vmul.f32 v63, v62  }
0x15c: {  	v33 =	vld [tilespmem:s24+$0x4B50]  }
0x15d: {  	v34 =	vld [tilespmem:s24+$0xB60];
	v18 =	vadd.f32 v19, v18;
	v19 =	vmul.f32 v29, v28  }
0x15e: {  	v35 =	vld [tilespmem:s24+$0x4B60]  }
0x15f: {  	v36 =	vld [tilespmem:s24+$0xB70];
	v18 =	vadd.f32 v19, v18;
	v19 =	vmul.f32 v31, v30  }
0x160: {  	v37 =	vld [tilespmem:s24+$0x4B70]  }
0x161: {  	v18 =	vadd.f32 v19, v18;
	v19 =	vmul.f32 v33, v32;
	_ =	sdelay $0x1  }
0x162: {  	v18 =	vadd.f32 v19, v18;
	v19 =	vmul.f32 v35, v34;
	_ =	sdelay $0x1  }
0x163: {  	v18 =	vadd.f32 v19, v18;
	v19 =	vmul.f32 v37, v36;
	_ =	sdelay $0x1  }
0x164: {  	v18 =	vadd.f32 v19, v18;
	_ =	sdelay $0x1  }
0x165: {  	[tilespmem:$0x9B00] =	vst v18  }
0x166: {  	v18 =	vld [tilespmem:s24+$0xB80]  }
0x167: {  	v19 =	vld [tilespmem:s24+$0x4B80]  }
0x168: {  	v38 =	vld [tilespmem:s24+$0xB90]  }
0x169: {  	v39 =	vld [tilespmem:s24+$0x4B90]  }
0x16a: {  	v40 =	vld [tilespmem:s24+$0xBA0]  }
0x16b: {  	v41 =	vld [tilespmem:s24+$0x4BA0]  }
0x16c: {  	v42 =	vld [tilespmem:s24+$0xBB0]  }
0x16d: {  	v43 =	vld [tilespmem:s24+$0x4BB0]  }
0x16e: {  	v44 =	vld [tilespmem:s24+$0xBC0];
	v18 =	vmul.f32 v19, v18;
	v19 =	vmul.f32 v39, v38  }
0x16f: {  	v45 =	vld [tilespmem:s24+$0x4BC0]  }
0x170: {  	v46 =	vld [tilespmem:s24+$0xBD0];
	v18 =	vadd.f32 v19, v18;
	v19 =	vmul.f32 v41, v40  }
0x171: {  	v47 =	vld [tilespmem:s24+$0x4BD0]  }
0x172: {  	v48 =	vld [tilespmem:s24+$0xBE0];
	v18 =	vadd.f32 v19, v18;
	v19 =	vmul.f32 v43, v42  }
0x173: {  	v49 =	vld [tilespmem:s24+$0x4BE0]  }
0x174: {  	v50 =	vld [tilespmem:s24+$0xBF0];
	v18 =	vadd.f32 v19, v18;
	v19 =	vmul.f32 v45, v44  }
0x175: {  	v51 =	vld [tilespmem:s24+$0x4BF0]  }
0x176: {  	v18 =	vadd.f32 v19, v18;
	v19 =	vmul.f32 v47, v46;
	_ =	sdelay $0x1  }
0x177: {  	v18 =	vadd.f32 v19, v18;
	v19 =	vmul.f32 v49, v48;
	_ =	sdelay $0x1  }
0x178: {  	v18 =	vadd.f32 v19, v18;
	v19 =	vmul.f32 v51, v50;
	_ =	sdelay $0x1  }
0x179: {  	v18 =	vadd.f32 v19, v18;
	_ =	sdelay $0x1  }
0x17a: {  	[tilespmem:$0x9B80] =	vst v18  }
0x17b: {  	v18 =	vld.idx.msk [tilespmem:v0+s19+$0x0], $0xffff  }
0x17c: {  	v19 =	vld.idx.msk [tilespmem:v2+s19+$0x0], $0xffff;
	_ =	sdelay $0x1  }
0x17d: {  	v52 =	vld.idx.msk [tilespmem:v3+s19+$0x0], $0xffff;
	_ =	sdelay $0x1  }
0x17e: {  	v53 =	vld.idx.msk [tilespmem:v4+s19+$0x0], $0xffff  }
0x17f: {  	v18 =	vadd.f32 v19, v18  }
0x180: {  	v19 =	vld.idx.msk [tilespmem:v5+s19+$0x0], $0xffff  }
0x181: {  	v18 =	vadd.f32 v52, v18  }
0x182: {  	v54 =	vld.idx.msk [tilespmem:v6+s19+$0x0], $0xffff  }
0x183: {  	v18 =	vadd.f32 v53, v18  }
0x184: {  	v55 =	vld.idx.msk [tilespmem:v7+s19+$0x0], $0xffff  }
0x185: {  	v18 =	vadd.f32 v19, v18  }
0x186: {  	v19 =	vld.idx.msk [tilespmem:v8+s19+$0x0], $0xffff  }
0x187: {  	v18 =	vadd.f32 v54, v18  }
0x188: {  	v56 =	vld.idx.msk [tilespmem:v9+s19+$0x0], $0xffff  }
0x189: {  	v18 =	vadd.f32 v55, v18  }
0x18a: {  	v57 =	vld.idx.msk [tilespmem:v10+s19+$0x0], $0xffff  }
0x18b: {  	v18 =	vadd.f32 v19, v18  }
0x18c: {  	v19 =	vld.idx.msk [tilespmem:v11+s19+$0x0], $0xffff  }
0x18d: {  	v18 =	vadd.f32 v56, v18  }
0x18e: {  	v58 =	vld.idx.msk [tilespmem:v12+s19+$0x0], $0xffff  }
0x18f: {  	v18 =	vadd.f32 v57, v18  }
0x190: {  	v59 =	vld.idx.msk [tilespmem:v13+s19+$0x0], $0xffff  }
0x191: {  	v18 =	vadd.f32 v19, v18  }
0x192: {  	v19 =	vld.idx.msk [tilespmem:v14+s19+$0x0], $0xffff  }
0x193: {  	v18 =	vadd.f32 v58, v18  }
0x194: {  	v60 =	vld.idx.msk [tilespmem:v15+s19+$0x0], $0xffff  }
0x195: {  	v18 =	vadd.f32 v59, v18  }
0x196: {  	s31 =	sshll.u32 s23, $0x7;
	v61 =	vld.idx.msk [tilespmem:v16+s19+$0x0], $0xffff  }
0x197: {  	s24 =	sand.u32 $0x3FFFFF80, s31;
	v18 =	vadd.f32 v19, v18  }
0x198: {  	v19 =	vld.idx.msk [tilespmem:v17+s24+$0x0 ss:$0x1], $0xffff  }
0x199: {  	v18 =	vadd.f32 v60, v18;
	_ =	sdelay $0x1  }
0x19a: {  	v18 =	vadd.f32 v61, v18;
	_ =	sdelay $0x1  }
0x19b: {  	v18 =	vmul.f32 v19, v18;
	_ =	sdelay $0x1  }
0x19c: {  	v19 =	vand.u32 $0x7FFFFFFF, v18  }
0x19d: {  	v19 =	vsub.f32 $0.0e+00, v19;
	_ =	sdelay $0x1  }
0x19e: {  	v19 =	vmul.f32 $1.442695020e+00, v19;
	_ =	sdelay $0x1  }
0x19f: {  	(erf) = vpow2.f32 v19;
	_ =	sdelay $0x8  }
0x1a0: {  	v19 =	vpop (erf)  }
0x1a1: {  	v62 =	vmul.f32 $-2.288060500e-03, v19;
	_ =	sdelay $0x1  }
0x1a2: {  	v20 =	vadd.f32 $1.514537170e-02, v62;
	_ =	sdelay $0x1  }
0x1a3: {  	v20 =	vmul.f32 v20, v19;
	_ =	sdelay $0x1  }
0x1a4: {  	v20 =	vadd.f32 $-4.713346440e-02, v20;
	_ =	sdelay $0x1  }
0x1a5: {  	v20 =	vmul.f32 v20, v19;
	_ =	sdelay $0x1  }
0x1a6: {  	v20 =	vadd.f32 $9.470379350e-02, v20;
	_ =	sdelay $0x1  }
0x1a7: {  	v20 =	vmul.f32 v20, v19;
	_ =	sdelay $0x1  }
0x1a8: {  	v20 =	vadd.f32 $-1.451764550e-01, v20;
	_ =	sdelay $0x1  }
0x1a9: {  	v20 =	vmul.f32 v20, v19;
	_ =	sdelay $0x1  }
0x1aa: {  	v20 =	vadd.f32 $1.933763770e-01, v20;
	_ =	sdelay $0x1  }
0x1ab: {  	v20 =	vmul.f32 v20, v19;
	_ =	sdelay $0x1  }
0x1ac: {  	v20 =	vadd.f32 $-2.486582100e-01, v20;
	_ =	sdelay $0x1  }
0x1ad: {  	v20 =	vmul.f32 v20, v19;
	_ =	sdelay $0x1  }
0x1ae: {  	v20 =	vadd.f32 $3.331669270e-01, v20;
	_ =	sdelay $0x1  }
0x1af: {  	v20 =	vmul.f32 v20, v19;
	_ =	sdelay $0x1  }
0x1b0: {  	v20 =	vadd.f32 $-4.999887650e-01, v20;
	_ =	sdelay $0x1  }
0x1b1: {  	v20 =	vmul.f32 v20, v19;
	_ =	sdelay $0x1  }
0x1b2: {  	v20 =	vadd.f32 $9.999996420e-01, v20;
	_ =	sdelay $0x1  }
0x1b3: {  	v19 =	vmul.f32 v20, v19  }
0x1b4: {  	v63 =	vld [tilespmem:$0x9C00]  }
0x1b5: {  	v19 =	vadd.f32 $2.413903520e-09, v19  }
0x1b6: {  	p1 =	sne.s32 s23, $0x7;
	v18 =	vmin.f32 v18, $0.0e+00  }
.Ltmp0:
0x1b7: {  	v18 =	vsub.f32 v18, v19;
	(pc) =	sbr.rel @p1 .LBB2_3-.Ltmp0, $3  }
0x1b8: {  	_ = 	snop  }
0x1b9: {  	v18 =	vadd.f32 v18, v63;
	_ =	sdelay $0x1  }
0x1ba: {  	s23 =	sadd.s32 $0x1, s23;
	[tilespmem:$0x9C00] =	vst v18  }
0x1bb: {  	s22 =	sadd.s32 $0x1, s22  }
0x1bc: {  	p1 =	sne.s32 s22, $0x4  }
.Ltmp1:
0x1bd: {  	_ = 	snop;
	(pc) =	sbr.rel @p1 .LBB2_2-.Ltmp1, $1  }
0x1be: {  	_ =	sdelay $0x3  }
0x1bf: {  	[spmem:s8] =	stream.linear.scatter [tilespmem:s20], [sflag:$0x3], $0x80, $0x38;
	[tilespmem:$0x9D10] =	vst v63  }
0x1c0: {  	_ =	swait.ge [sflag:s11], $0x80  }
0x1c1: {  	[sflag:s11] =	ssyncset.done $0x0  }
0x1c2: {  	[sflag:s11] =	ssyncadd.s32 $0xFFFFFF80  }
0x1c3: {  	s22 =	simm.s32 @!p0 $0x9400;
	[bflag:$0x0] =	sbarrier.arrive $0xFFFF  }
0x1c4: {  	[tilespmem:s22], [sflag:$0x3] =	stream.linear.gather @!p0 [spmem:s3], $0x800, $0x38;
	[tilespmem:$0x9D10] =	vst v63  }
0x1c5: {  	s22 =	simm.s32 @!p0 $0x3  }
0x1c6: {  	_ =	swait.ge @!p0 [sflag:s22], $0x800  }
0x1c7: {  	[sflag:s22] =	ssyncset.done @!p0 $0x0  }
0x1c8: {  	[sflag:s22] =	ssyncadd.s32 @!p0 $0xFFFFF800  }
0x1c9: {  	v17 =	vld @!p0 [tilespmem:$0x9400]  }
0x1ca: {  	v18 =	vld @!p0 [tilespmem:$0x9480];
	_ =	sdelay $0x1  }
0x1cb: {  	v19 =	vld @!p0 [tilespmem:$0x9500];
	_ =	sdelay $0x1  }
0x1cc: {  	v20 =	vld @!p0 [tilespmem:$0x9580]  }
0x1cd: {  	v17 =	vadd.f32 @!p0 v18, v17  }
0x1ce: {  	v18 =	vld @!p0 [tilespmem:$0x9600]  }
0x1cf: {  	v17 =	vadd.f32 @!p0 v19, v17  }
0x1d0: {  	v19 =	vld @!p0 [tilespmem:$0x9680]  }
0x1d1: {  	v17 =	vadd.f32 @!p0 v20, v17  }
0x1d2: {  	v20 =	vld @!p0 [tilespmem:$0x9700]  }
0x1d3: {  	v17 =	vadd.f32 @!p0 v18, v17  }
0x1d4: {  	v18 =	vld @!p0 [tilespmem:$0x9780]  }
0x1d5: {  	v17 =	vadd.f32 @!p0 v19, v17  }
0x1d6: {  	v19 =	vld @!p0 [tilespmem:$0x9800]  }
0x1d7: {  	v17 =	vadd.f32 @!p0 v20, v17  }
0x1d8: {  	v20 =	vld @!p0 [tilespmem:$0x9880]  }
0x1d9: {  	v17 =	vadd.f32 @!p0 v18, v17  }
0x1da: {  	v18 =	vld @!p0 [tilespmem:$0x9900]  }
0x1db: {  	v17 =	vadd.f32 @!p0 v19, v17  }
0x1dc: {  	v19 =	vld @!p0 [tilespmem:$0x9980]  }
0x1dd: {  	v17 =	vadd.f32 @!p0 v20, v17  }
0x1de: {  	v20 =	vld @!p0 [tilespmem:$0x9A00]  }
0x1df: {  	v17 =	vadd.f32 @!p0 v18, v17  }
0x1e0: {  	v18 =	vld @!p0 [tilespmem:$0x9A80]  }
0x1e1: {  	v17 =	vadd.f32 @!p0 v19, v17  }
0x1e2: {  	v19 =	vld @!p0 [tilespmem:$0x9B00]  }
0x1e3: {  	v17 =	vadd.f32 @!p0 v20, v17  }
0x1e4: {  	v20 =	vld @!p0 [tilespmem:$0x9B80]  }
0x1e5: {  	v17 =	vadd.f32 @!p0 v18, v17;
	_ =	sdelay $0x1  }
0x1e6: {  	v17 =	vadd.f32 @!p0 v19, v17;
	_ =	sdelay $0x1  }
0x1e7: {  	v17 =	vadd.f32 @!p0 v20, v17;
	_ =	sdelay $0x1  }
0x1e8: {  	(xrf2) =	vadd.scan.msk.f32 @!p0 $0xffff, v17;
	_ =	sdelay $0x9  }
0x1e9: {  	v17, _, _ =	vpop @!p0 (xrf2)  }
0x1ea: {  	(v2sf) =	vpush @!p0 v17, $0xF;
	_ =	sdelay $0xe  }
0x1eb: {  	s23 =	spop @!p0 (v2sf)  }
0x1ec: {  	s23 =	smul.f32 @!p0 $-6.103515630e-05, s23  }
0x1ed: {  	s21 =	sadd.s32 $0x1, s21  }
0x1ee: {  	p1 =	sne.s32 s21, s10;
	v17 =	vmov @!p0 s23  }
.Ltmp2:
0x1ef: {  	s24 =	simm.s32 @!p0 $0x9C80;
	s23 =	simm.s32 @!p0 $0x0;
	[tilespmem:$0x9C80] =	vst @!p0 v17;
	(pc) =	sbr.rel @p1 .LBB2_1-.Ltmp2, $4  }
0x1f0: {  	[hbm4b:s9+s23] =	stream.linear.scatter @!p0 [tilespmem:s24], [sflag:$0x3], $0x80, $0x38;
	[tilespmem:$0x9D10] =	vst v63  }
0x1f1: {  	_ =	swait.ge @!p0 [sflag:s22], $0x80  }
0x1f2: {  	[sflag:s22] =	ssyncset.done @!p0 $0x0  }
0x1f3: {  	[sflag:s22] =	ssyncadd.s32 @!p0 $0xFFFFFF80  }
0x1f4: {  	_ =	sfence.sel $0x180000  }
0x1f5: {  	[bflag:$0x0] =	sbarrier.arrive $0xFFFF  }
0x1f6: {  	_ =	strace $0x90000047  }
0x1f7: {  	s0 =	sadd.s32 @!p0 $0x100000, s1;
	[bflag:$0x2] =	sbarrier.arrive $0xFFFF  }
0x1f8: {  	[sflag:s0] =	ssyncadd.tile.s32 @!p0 $0x1;
	_ =	shalt  }
.Lfunc_end2:
_tile_overlayer_lowered:
.L_overlay_start_2:
0x1f9: {  	(tag) =	ssettag $0x2  }
0x1fa: {  	s0 =	rddreg [dreg:$0x0];
	s2 =	stileid.u32  }
0x1fb: {  	s1 =	rddreg [dreg:$0x1];
	p0 =	sne.s32 s2, $0x0  }
0x1fc: {  	s3 =	rddreg [dreg:$0x2];
	[bflag:$0x3] =	sbarrier.arrive $0xFFFF;
	s2 =	simm.s32 @!p0 $0x1C03  }
0x1fd: {  	[timem:s3], [sflag:s2] =	dma.local @!p0 [hbm:s0], s1  }
0x1fe: {  	s0 =	simm.s32 @!p0 $0x3  }
0x1ff: {  	_ =	swait.ge @!p0 [sflag:s0], s1  }
0x200: {  	s1 =	ssub.s32 @!p0 $0x0, s1;
	[sflag:s0] =	ssyncset.done @!p0 $0x0  }
0x201: {  	[sflag:s0] =	ssyncadd.s32 @!p0 s1  }
0x202: {  	[bflag:$0x3] =	sbarrier.arrive $0xFFFF  }
0x203: {  	_ =	shalt  }

</sc_bundles>
